<compile_context>
chip_gen: v7x
topology: tpu7x:2x2x1
jax: 0.10.2.dev20260603
libtpu: 0.0.44.dev20260713+nightly
codegen_flags: <defaults>
</compile_context>

<pallas_src>
import functools

import jax
import jax.numpy as jnp
from jax import lax
from jax.experimental import pallas as pl
from jax.experimental.pallas import tpu as pltpu
from jax.experimental.pallas import tpu_sc as plsc


C = 32
NB = 8

_NC = 2
_NS = 16
_NW = _NC * _NS

_P = 4
_GCHUNK = 2000
_SCHUNK = 800

_MESH = plsc.VectorSubcoreMesh(core_axis_name="c", subcore_axis_name="s")
_SC_PARAMS = pltpu.CompilerParams(use_tc_tiling_on_sc=False)



def _pp_body(p1_ref, wpp4_ref, out_ref):
    out_ref[...] = jnp.tanh(
        jnp.dot(p1_ref[...], wpp4_ref[...], preferred_element_type=jnp.float32)
    )


def _pp_call(p14, wpp4, nb4):
    n4 = p14.shape[0]
    return pl.pallas_call(
        _pp_body,
        grid=(n4 // nb4,),
        in_specs=[
            pl.BlockSpec((nb4, 4 * C), lambda i: (i, 0)),
            pl.BlockSpec((4 * C, 4 * C), lambda i: (0, 0)),
        ],
        out_specs=pl.BlockSpec((nb4, 4 * C), lambda i: (i, 0)),
        out_shape=jax.ShapeDtypeStruct((n4, 4 * C), jnp.float32),
    )(p14, wpp4)



def _gather_call(tab, pair_i, pair_j):
    e = pair_i.shape[0]
    per_w = e // _NW

    @functools.partial(
        pl.kernel,
        out_type=(
            jax.ShapeDtypeStruct((e, C), jnp.float32),
            jax.ShapeDtypeStruct((e, C), jnp.float32),
        ),
        mesh=_MESH,
        scratch_types=[
            pltpu.VMEM((_GCHUNK,), jnp.int32),
            pltpu.VMEM((_GCHUNK, C), jnp.float32),
            pltpu.SemaphoreType.DMA,
        ],
        compiler_params=_SC_PARAMS,
    )
    def k(tab_hbm, pi_hbm, pj_hbm, xi_hbm, xj_hbm, idx_v, rows_v, sem):
        wid = lax.axis_index("s") * _NC + lax.axis_index("c")
        base = wid * per_w

        @pl.loop(0, per_w, step=_GCHUNK)
        def _(off):
            start = base + off
            pltpu.sync_copy(pi_hbm.at[pl.ds(start, _GCHUNK)], idx_v)
            pltpu.async_copy(tab_hbm.at[idx_v], rows_v, sem).wait()
            pltpu.sync_copy(rows_v, xi_hbm.at[pl.ds(start, _GCHUNK)])
            pltpu.sync_copy(pj_hbm.at[pl.ds(start, _GCHUNK)], idx_v)
            pltpu.async_copy(tab_hbm.at[idx_v], rows_v, sem).wait()
            pltpu.sync_copy(rows_v, xj_hbm.at[pl.ds(start, _GCHUNK)])

    return k(tab, pair_i, pair_j)



def _mlp_body(xi_ref, xj_ref, basis_ref, wpi4_ref, r_ref, t_ref, out_ref):
    x4 = (xi_ref[...] + xj_ref[...]).astype(jnp.bfloat16)
    h4 = jnp.tanh(
        jnp.dot(x4, wpi4_ref[...], preferred_element_type=jnp.float32))
    brep = jnp.dot(basis_ref[...].astype(jnp.bfloat16), r_ref[...],
                   preferred_element_type=jnp.float32)
    prod = (h4 * brep).astype(jnp.bfloat16)
    i1 = jnp.tanh(
        jnp.dot(prod, t_ref[...], preferred_element_type=jnp.float32))
    out_ref[...] = i1


def _mlp_call(xip, xjp, basisp, wpip, rp, tp, ebp):
    ep = xip.shape[0]
    return pl.pallas_call(
        _mlp_body,
        grid=(ep // ebp,),
        in_specs=[
            pl.BlockSpec((ebp, _P * C), lambda i: (i, 0)),
            pl.BlockSpec((ebp, _P * C), lambda i: (i, 0)),
            pl.BlockSpec((ebp, _P * NB), lambda i: (i, 0)),
            pl.BlockSpec((_P * C, _P * C * NB), lambda i: (0, 0)),
            pl.BlockSpec((_P * NB, _P * C * NB), lambda i: (0, 0)),
            pl.BlockSpec((_P * C * NB, _P * C), lambda i: (0, 0)),
        ],
        out_specs=pl.BlockSpec((ebp, _P * C), lambda i: (i, 0)),
        out_shape=jax.ShapeDtypeStruct((ep, _P * C), jnp.float32),
    )(xip, xjp, basisp, wpip, rp, tp)



def _scatter_call(i1, pair_i, n):
    e = pair_i.shape[0]
    half = n // _NC
    acc_rows = half + 48
    stripe = acc_rows // _NS
    per_s = e // _NS
    zeros = jnp.zeros((acc_rows, C), jnp.float32)

    @functools.partial(
        pl.kernel,
        out_type=jax.ShapeDtypeStruct((n, C), jnp.float32),
        mesh=_MESH,
        scratch_types=[
            pltpu.VMEM((_SCHUNK,), jnp.int32),
            pltpu.VMEM((_SCHUNK, C), jnp.float32),
            pltpu.VMEM_SHARED((acc_rows, C), jnp.float32),
        ],
        compiler_params=_SC_PARAMS,
    )
    def k(i1_hbm, pi_hbm, z_hbm, out_hbm, idx_v, rows_v, acc_sh):
        cid = lax.axis_index("c")
        sid = lax.axis_index("s")
        node_base = cid * half

        zstart = sid * stripe
        pltpu.sync_copy(z_hbm.at[pl.ds(zstart, stripe)],
                        acc_sh.at[pl.ds(zstart, stripe)])
        plsc.subcore_barrier()

        ebase = sid * per_s
        trash_v = half + lax.iota(jnp.int32, 16)

        @pl.loop(0, per_s, step=_SCHUNK)
        def _(off):
            start = ebase + off
            pltpu.sync_copy(pi_hbm.at[pl.ds(start, _SCHUNK)], idx_v)
            pltpu.sync_copy(i1_hbm.at[pl.ds(start, _SCHUNK)], rows_v)

            @pl.loop(0, _SCHUNK, step=16)
            def _(t):
                v = idx_v[pl.ds(t, 16)]
                ok = (v >= node_base) & (v < node_base + half)
                idx_v[pl.ds(t, 16)] = jnp.where(ok, v - node_base, trash_v)

            pltpu.sync_copy(rows_v, acc_sh.at[idx_v], add=True)

        plsc.subcore_barrier()

        wlen_last = half - (_NS - 1) * stripe
        obase = node_base + sid * stripe

        @pl.when(sid < _NS - 1)
        def _():
            pltpu.sync_copy(acc_sh.at[pl.ds(sid * stripe, stripe)],
                            out_hbm.at[pl.ds(obase, stripe)])

        @pl.when(sid == _NS - 1)
        def _():
            pltpu.sync_copy(acc_sh.at[pl.ds(sid * stripe, wlen_last)],
                            out_hbm.at[pl.ds(obase, wlen_last)])

    return k(i1, pair_i, zeros)



def _pack_weights(W_pp, W_pi, W_ii):
    eye4 = jnp.eye(4, dtype=jnp.float32)
    wpp4 = (jnp.einsum("kK,cd->kcKd", eye4, W_pp).reshape(4 * C, 4 * C))
    wpi2 = W_pi.reshape(C, C, NB).transpose(0, 2, 1).reshape(C, C * NB)
    eyep = jnp.eye(_P, dtype=jnp.float32)
    wpip = (jnp.einsum("kK,cj->kcKj", eyep, wpi2)
            .reshape(_P * C, _P * C * NB).astype(jnp.bfloat16))
    eye8 = jnp.eye(NB, dtype=jnp.float32)
    ones_c = jnp.ones((C,), jnp.float32)
    rp = (jnp.einsum("kK,bB,c->kbKBc", eyep, eye8, ones_c)
          .reshape(_P * NB, _P * C * NB).astype(jnp.bfloat16))
    tp = (jnp.broadcast_to(
        (eyep[:, None, None, :, None] * W_ii[None, None, :, None, :]),
        (_P, NB, C, _P, C)).reshape(_P * C * NB, _P * C).astype(jnp.bfloat16))
    return wpp4, wpip, rp, tp


def kernel(pair_i, pair_j, p1, basis, W_pp, W_pi, W_ii):
    n = p1.shape[0]
    e = basis.shape[0]

    wpp4, wpip, rp, tp = _pack_weights(W_pp, W_pi, W_ii)

    p14 = p1.reshape(n // 4, 4 * C)
    tab4 = _pp_call(p14, wpp4, nb4=5000)

    xi, xj = _gather_call(tab4.reshape(n, C), pair_i, pair_j)

    i1_p = _mlp_call(
        xi.reshape(e // _P, _P * C),
        xj.reshape(e // _P, _P * C),
        basis.reshape(e // _P, _P * NB),
        wpip, rp, tp, ebp=1000)

    p1_new = _scatter_call(i1_p.reshape(e, C), pair_i, n)
    return (p1_new.reshape(n, 1, C), i1_p.reshape(e, 1, C))

# --- scband reference (transcript-rebuilt; emitter-appended) ---
"""Pipeline reference for scband-gcblock-42039139893971 (READ-ONLY COPY).

The authoritative reference and input builder live on the scoring server;
editing this copy changes nothing except your own understanding.
"""

import jax, jax.numpy as jnp
import numpy as np

N = 100000
E = 1600000
C = 32
NB = 8

def setup_inputs(seed: int = 0) -> dict:
    key = jax.random.key(seed)
    ks = jax.random.split(key, 7)
    pair_i = jax.random.randint(ks[0], (E,), 0, N, dtype=jnp.int32)
    pair_j = jax.random.randint(ks[1], (E,), 0, N, dtype=jnp.int32)
    p1 = jax.random.normal(ks[2], (N, 1, C), dtype=jnp.float32)
    basis = jax.random.normal(ks[3], (E, NB), dtype=jnp.float32)
    # build_mlp(n_in, n_out, [], use_bias=False, activation=tanh) -> single bias-free
    # linear followed by tanh activation
    W_pp = jax.random.normal(ks[4], (C, C), dtype=jnp.float32) * 0.1
    W_pi = jax.random.normal(ks[5], (C, C * NB), dtype=jnp.float32) * 0.1
    W_ii = jax.random.normal(ks[6], (C, C), dtype=jnp.float32) * 0.1
    return {"pair_i": pair_i, "pair_j": pair_j, "p1": p1, "basis": basis,
            "W_pp": W_pp, "W_pi": W_pi, "W_ii": W_ii}

def reference(pair_i, pair_j, p1, basis, W_pp, W_pi, W_ii):
    # GCBlock with rank=1 -> InvarLayer only
    # PPLayer: bias-free MLP + tanh on node properties
    p1p = jnp.tanh(jnp.einsum('nic,cd->nid', p1, W_pp))  # [N, 1, C]
    # PILayer: gather both endpoints, sum, MLP, contract with radial basis
    prop_i = jnp.take(p1p, pair_i, axis=0)               # [E, 1, C]
    prop_j = jnp.take(p1p, pair_j, axis=0)               # [E, 1, C]
    inter = prop_i + prop_j
    inter = jnp.tanh(jnp.einsum('eic,cd->eid', inter, W_pi))  # [E, 1, C*NB]
    inter = inter.reshape(-1, C, NB)                     # [E, C, NB]
    inter = jnp.einsum('pcb,pb->pc', inter, basis)       # [E, C]
    i1 = inter[:, None, :]                               # [E, 1, C]
    # IILayer: bias-free MLP + tanh on interactions
    i1 = jnp.tanh(jnp.einsum('eic,cd->eid', i1, W_ii))   # [E, 1, C]
    # IPLayer: scatter_add over destination index
    p1_new = jax.ops.segment_sum(i1, pair_i, num_segments=N)  # [N, 1, C]
    return (p1_new, i1)

if __name__ == "__main__":
    import jax
    _d = setup_inputs()
    print(jax.jit(kernel)(*tuple(_d.values())))

</pallas_src>

<mosaic_0001>
#map = affine_map<(d0, d1) -> (0, 0)>
#map1 = affine_map<(d0, d1) -> (0)>
module attributes {stable_mosaic.version = 14 : i64} {
  func.func @k(%arg0: i32, %arg1: i32, %arg2: memref<100000x32xf32, #tpu.memory_space<hbm>>, %arg3: memref<1600000xi32, #tpu.memory_space<hbm>>, %arg4: memref<1600000xi32, #tpu.memory_space<hbm>>, %arg5: memref<1600000x32xf32, #tpu.memory_space<hbm>>, %arg6: memref<1600000x32xf32, #tpu.memory_space<hbm>>, %arg7: memref<2000xi32, #tpu.memory_space<vmem>>, %arg8: memref<2000x32xf32, #tpu.memory_space<vmem>>, %arg9: memref<!tpu.dma_semaphore, #tpu.memory_space<semaphore_mem>>) attributes {dimension_semantics = [#tpu.dimension_semantics<core_parallel>, #tpu.dimension_semantics<subcore_parallel>], iteration_bounds = array<i64: 2, 16>, scalar_prefetch = 0 : i64, scratch_operands = 3 : i64, tpu.core_type = #tpu.core_type<sc_vector_subcore>, window_params = [{transform_indices = #map}, {transform_indices = #map1}, {transform_indices = #map1}, {transform_indices = #map}, {transform_indices = #map}]} {
    %mul3A = arith.constant 2 : i32
    %mul3A_0 = arith.muli %arg1, %mul3A : i32
    %add3A = arith.addi %mul3A_0, %arg0 : i32
    %mul3A_1 = arith.constant 50000 : i32
    %mul3A_2 = arith.muli %add3A, %mul3A_1 : i32
    %scan3A = arith.constant 0 : i32
    %scan3A_3 = arith.constant 25 : i32
    %scan3A_4 = arith.addi %scan3A, %scan3A_3 : i32
    %scan3A_5 = arith.constant 1 : i32
    scf.for %scan3A_7 = %scan3A to %scan3A_4 step %scan3A_5  : i32 {
      %mul3A_8 = arith.constant 2000 : i32
      %mul3A_9 = arith.muli %scan3A_7, %mul3A_8 : i32
      %add3A_10 = arith.constant 0 : i32
      %add3A_11 = arith.addi %add3A_10, %mul3A_9 : i32
      %add3A_12 = arith.addi %mul3A_2, %add3A_11 : i32
      "tpu.region"() ({
        %run_scoped3A = tpu.sem_alloc : memref<!tpu.dma_semaphore, #tpu.memory_space<semaphore_mem>>
        %dma_start3A_23 = tpu.memref_slice %arg3[%add3A_12] : memref<1600000xi32, #tpu.memory_space<hbm>> -> memref<2000xi32, #tpu.memory_space<hbm>>
        %dma_start3A_24 = tpu.memref_slice %arg3[%add3A_12] : memref<1600000xi32, #tpu.memory_space<hbm>> -> memref<2000xi32, #tpu.memory_space<hbm>>
        tpu.enqueue_dma source(%dma_start3A_24 : memref<2000xi32, #tpu.memory_space<hbm>>) target(%arg7 : memref<2000xi32, #tpu.memory_space<vmem>>) target_semaphore(%run_scoped3A : memref<!tpu.dma_semaphore, #tpu.memory_space<semaphore_mem>>)
        %dma_wait3A_25 = tpu.memref_slice %arg3[%add3A_12] : memref<1600000xi32, #tpu.memory_space<hbm>> -> memref<2000xi32, #tpu.memory_space<hbm>>
        %dma_wait3A_26 = tpu.memref_slice %arg3[%add3A_12] : memref<1600000xi32, #tpu.memory_space<hbm>> -> memref<2000xi32, #tpu.memory_space<hbm>>
        tpu.wait_dma2 semaphore(%run_scoped3A : memref<!tpu.dma_semaphore, #tpu.memory_space<semaphore_mem>>) src(%dma_wait3A_26 : memref<2000xi32, #tpu.memory_space<hbm>>) dst(%arg7 : memref<2000xi32, #tpu.memory_space<vmem>>)
        tpu.yield
      }) : () -> ()
      %dma_start3A = arith.constant 0 : i32
      %dma_start3A_13 = arith.constant 0 : i32
      %dma_start3A_14 = tpu.memref_slice %arg2[%dma_start3A, %dma_start3A_13] : memref<100000x32xf32, #tpu.memory_space<hbm>> -> memref<100000x32xf32, #tpu.memory_space<hbm>>
      tpu.enqueue_indirect_dma source(%dma_start3A_14 : memref<100000x32xf32, #tpu.memory_space<hbm>>) target(%arg8 : memref<2000x32xf32, #tpu.memory_space<vmem>>) offsets(%arg7 : memref<2000xi32, #tpu.memory_space<vmem>>) semaphore(%arg9 : memref<!tpu.dma_semaphore, #tpu.memory_space<semaphore_mem>>)
      %dma_wait3A = arith.constant 0 : i32
      %dma_wait3A_15 = arith.constant 0 : i32
      %dma_wait3A_16 = tpu.memref_slice %arg2[%dma_wait3A, %dma_wait3A_15] : memref<100000x32xf32, #tpu.memory_space<hbm>> -> memref<100000x32xf32, #tpu.memory_space<hbm>>
      tpu.wait_indirect_dma semaphore(%arg9 : memref<!tpu.dma_semaphore, #tpu.memory_space<semaphore_mem>>) src(%dma_wait3A_16 : memref<100000x32xf32, #tpu.memory_space<hbm>>) dst(%arg8 : memref<2000x32xf32, #tpu.memory_space<vmem>>)
      "tpu.region"() ({
        %run_scoped3A = tpu.sem_alloc : memref<!tpu.dma_semaphore, #tpu.memory_space<semaphore_mem>>
        %dma_start3A_23 = arith.constant 0 : i32
        %dma_start3A_24 = tpu.memref_slice %arg5[%add3A_12, %dma_start3A_23] : memref<1600000x32xf32, #tpu.memory_space<hbm>> -> memref<2000x32xf32, #tpu.memory_space<hbm>>
        %dma_start3A_25 = arith.constant 0 : i32
        %dma_start3A_26 = tpu.memref_slice %arg5[%add3A_12, %dma_start3A_25] : memref<1600000x32xf32, #tpu.memory_space<hbm>> -> memref<2000x32xf32, #tpu.memory_space<hbm>>
        tpu.enqueue_dma source(%arg8 : memref<2000x32xf32, #tpu.memory_space<vmem>>) target(%dma_start3A_26 : memref<2000x32xf32, #tpu.memory_space<hbm>>) target_semaphore(%run_scoped3A : memref<!tpu.dma_semaphore, #tpu.memory_space<semaphore_mem>>)
        %dma_wait3A_27 = arith.constant 0 : i32
        %dma_wait3A_28 = tpu.memref_slice %arg5[%add3A_12, %dma_wait3A_27] : memref<1600000x32xf32, #tpu.memory_space<hbm>> -> memref<2000x32xf32, #tpu.memory_space<hbm>>
        %dma_wait3A_29 = arith.constant 0 : i32
        %dma_wait3A_30 = tpu.memref_slice %arg5[%add3A_12, %dma_wait3A_29] : memref<1600000x32xf32, #tpu.memory_space<hbm>> -> memref<2000x32xf32, #tpu.memory_space<hbm>>
        tpu.wait_dma2 semaphore(%run_scoped3A : memref<!tpu.dma_semaphore, #tpu.memory_space<semaphore_mem>>) src(%arg8 : memref<2000x32xf32, #tpu.memory_space<vmem>>) dst(%dma_wait3A_30 : memref<2000x32xf32, #tpu.memory_space<hbm>>)
        tpu.yield
      }) : () -> ()
      "tpu.region"() ({
        %run_scoped3A = tpu.sem_alloc : memref<!tpu.dma_semaphore, #tpu.memory_space<semaphore_mem>>
        %dma_start3A_23 = tpu.memref_slice %arg4[%add3A_12] : memref<1600000xi32, #tpu.memory_space<hbm>> -> memref<2000xi32, #tpu.memory_space<hbm>>
        %dma_start3A_24 = tpu.memref_slice %arg4[%add3A_12] : memref<1600000xi32, #tpu.memory_space<hbm>> -> memref<2000xi32, #tpu.memory_space<hbm>>
        tpu.enqueue_dma source(%dma_start3A_24 : memref<2000xi32, #tpu.memory_space<hbm>>) target(%arg7 : memref<2000xi32, #tpu.memory_space<vmem>>) target_semaphore(%run_scoped3A : memref<!tpu.dma_semaphore, #tpu.memory_space<semaphore_mem>>)
        %dma_wait3A_25 = tpu.memref_slice %arg4[%add3A_12] : memref<1600000xi32, #tpu.memory_space<hbm>> -> memref<2000xi32, #tpu.memory_space<hbm>>
        %dma_wait3A_26 = tpu.memref_slice %arg4[%add3A_12] : memref<1600000xi32, #tpu.memory_space<hbm>> -> memref<2000xi32, #tpu.memory_space<hbm>>
        tpu.wait_dma2 semaphore(%run_scoped3A : memref<!tpu.dma_semaphore, #tpu.memory_space<semaphore_mem>>) src(%dma_wait3A_26 : memref<2000xi32, #tpu.memory_space<hbm>>) dst(%arg7 : memref<2000xi32, #tpu.memory_space<vmem>>)
        tpu.yield
      }) : () -> ()
      %dma_start3A_17 = arith.constant 0 : i32
      %dma_start3A_18 = arith.constant 0 : i32
      %dma_start3A_19 = tpu.memref_slice %arg2[%dma_start3A_17, %dma_start3A_18] : memref<100000x32xf32, #tpu.memory_space<hbm>> -> memref<100000x32xf32, #tpu.memory_space<hbm>>
      tpu.enqueue_indirect_dma source(%dma_start3A_19 : memref<100000x32xf32, #tpu.memory_space<hbm>>) target(%arg8 : memref<2000x32xf32, #tpu.memory_space<vmem>>) offsets(%arg7 : memref<2000xi32, #tpu.memory_space<vmem>>) semaphore(%arg9 : memref<!tpu.dma_semaphore, #tpu.memory_space<semaphore_mem>>)
      %dma_wait3A_20 = arith.constant 0 : i32
      %dma_wait3A_21 = arith.constant 0 : i32
      %dma_wait3A_22 = tpu.memref_slice %arg2[%dma_wait3A_20, %dma_wait3A_21] : memref<100000x32xf32, #tpu.memory_space<hbm>> -> memref<100000x32xf32, #tpu.memory_space<hbm>>
      tpu.wait_indirect_dma semaphore(%arg9 : memref<!tpu.dma_semaphore, #tpu.memory_space<semaphore_mem>>) src(%dma_wait3A_22 : memref<100000x32xf32, #tpu.memory_space<hbm>>) dst(%arg8 : memref<2000x32xf32, #tpu.memory_space<vmem>>)
      "tpu.region"() ({
        %run_scoped3A = tpu.sem_alloc : memref<!tpu.dma_semaphore, #tpu.memory_space<semaphore_mem>>
        %dma_start3A_23 = arith.constant 0 : i32
        %dma_start3A_24 = tpu.memref_slice %arg6[%add3A_12, %dma_start3A_23] : memref<1600000x32xf32, #tpu.memory_space<hbm>> -> memref<2000x32xf32, #tpu.memory_space<hbm>>
        %dma_start3A_25 = arith.constant 0 : i32
        %dma_start3A_26 = tpu.memref_slice %arg6[%add3A_12, %dma_start3A_25] : memref<1600000x32xf32, #tpu.memory_space<hbm>> -> memref<2000x32xf32, #tpu.memory_space<hbm>>
        tpu.enqueue_dma source(%arg8 : memref<2000x32xf32, #tpu.memory_space<vmem>>) target(%dma_start3A_26 : memref<2000x32xf32, #tpu.memory_space<hbm>>) target_semaphore(%run_scoped3A : memref<!tpu.dma_semaphore, #tpu.memory_space<semaphore_mem>>)
        %dma_wait3A_27 = arith.constant 0 : i32
        %dma_wait3A_28 = tpu.memref_slice %arg6[%add3A_12, %dma_wait3A_27] : memref<1600000x32xf32, #tpu.memory_space<hbm>> -> memref<2000x32xf32, #tpu.memory_space<hbm>>
        %dma_wait3A_29 = arith.constant 0 : i32
        %dma_wait3A_30 = tpu.memref_slice %arg6[%add3A_12, %dma_wait3A_29] : memref<1600000x32xf32, #tpu.memory_space<hbm>> -> memref<2000x32xf32, #tpu.memory_space<hbm>>
        tpu.wait_dma2 semaphore(%run_scoped3A : memref<!tpu.dma_semaphore, #tpu.memory_space<semaphore_mem>>) src(%arg8 : memref<2000x32xf32, #tpu.memory_space<vmem>>) dst(%dma_wait3A_30 : memref<2000x32xf32, #tpu.memory_space<hbm>>)
        tpu.yield
      }) : () -> ()
    }
    %scan3A_6 = arith.constant 25 : i32
    return
  }
}

#map = affine_map<(d0, d1) -> (0, 0)>
#map1 = affine_map<(d0, d1) -> (0)>
module attributes {stable_mosaic.version = 14 : i64} {
  func.func @k(%arg0: i32, %arg1: i32, %arg2: memref<1600000x32xf32, #tpu.memory_space<hbm>>, %arg3: memref<1600000xi32, #tpu.memory_space<hbm>>, %arg4: memref<50048x32xf32, #tpu.memory_space<hbm>>, %arg5: memref<100000x32xf32, #tpu.memory_space<hbm>>, %arg6: memref<800xi32, #tpu.memory_space<vmem>>, %arg7: memref<800x32xf32, #tpu.memory_space<vmem>>, %arg8: memref<50048x32xf32, #tpu.memory_space<vmem_shared>>) attributes {dimension_semantics = [#tpu.dimension_semantics<core_parallel>, #tpu.dimension_semantics<subcore_parallel>], iteration_bounds = array<i64: 2, 16>, scalar_prefetch = 0 : i64, scratch_operands = 3 : i64, tpu.core_type = #tpu.core_type<sc_vector_subcore>, window_params = [{transform_indices = #map}, {transform_indices = #map1}, {transform_indices = #map}, {transform_indices = #map}]} {
    %mul3A = arith.constant 50000 : i32
    %mul3A_0 = arith.muli %arg0, %mul3A : i32
    %mul3A_1 = arith.constant 3128 : i32
    %mul3A_2 = arith.muli %arg1, %mul3A_1 : i32
    "tpu.region"() ({
      %run_scoped3A = tpu.sem_alloc : memref<!tpu.dma_semaphore, #tpu.memory_space<semaphore_mem>>
      %dma_start3A = arith.constant 0 : i32
      %dma_start3A_21 = tpu.memref_slice %arg8[%mul3A_2, %dma_start3A] : memref<50048x32xf32, #tpu.memory_space<vmem_shared>> -> memref<3128x32xf32, #tpu.memory_space<vmem_shared>>
      %dma_start3A_22 = arith.constant 0 : i32
      %dma_start3A_23 = tpu.memref_slice %arg4[%mul3A_2, %dma_start3A_22] : memref<50048x32xf32, #tpu.memory_space<hbm>> -> memref<3128x32xf32, #tpu.memory_space<hbm>>
      tpu.enqueue_dma source(%dma_start3A_23 : memref<3128x32xf32, #tpu.memory_space<hbm>>) target(%dma_start3A_21 : memref<3128x32xf32, #tpu.memory_space<vmem_shared>>) target_semaphore(%run_scoped3A : memref<!tpu.dma_semaphore, #tpu.memory_space<semaphore_mem>>)
      %dma_wait3A = arith.constant 0 : i32
      %dma_wait3A_24 = tpu.memref_slice %arg8[%mul3A_2, %dma_wait3A] : memref<50048x32xf32, #tpu.memory_space<vmem_shared>> -> memref<3128x32xf32, #tpu.memory_space<vmem_shared>>
      %dma_wait3A_25 = arith.constant 0 : i32
      %dma_wait3A_26 = tpu.memref_slice %arg4[%mul3A_2, %dma_wait3A_25] : memref<50048x32xf32, #tpu.memory_space<hbm>> -> memref<3128x32xf32, #tpu.memory_space<hbm>>
      tpu.wait_dma2 semaphore(%run_scoped3A : memref<!tpu.dma_semaphore, #tpu.memory_space<semaphore_mem>>) src(%dma_wait3A_26 : memref<3128x32xf32, #tpu.memory_space<hbm>>) dst(%dma_wait3A_24 : memref<3128x32xf32, #tpu.memory_space<vmem_shared>>)
      tpu.yield
    }) : () -> ()
    %barrier3A = arith.constant 0 : index
    tpu.barrier barrier_id(%barrier3A)
    %mul3A_3 = arith.constant 100000 : i32
    %mul3A_4 = arith.muli %arg1, %mul3A_3 : i32
    %iota3A = tpu.iota {dimensions = array<i32: 0>} : vector<16xi32>
    %add3A = arith.constant 50000 : i32
    %add3A_5 = vector.broadcast %add3A : i32 to vector<16xi32>
    %add3A_6 = arith.addi %add3A_5, %iota3A : vector<16xi32>
    %scan3A = arith.constant 0 : i32
    %scan3A_7 = arith.constant 125 : i32
    %scan3A_8 = arith.addi %scan3A, %scan3A_7 : i32
    %scan3A_9 = arith.constant 1 : i32
    scf.for %scan3A_21 = %scan3A to %scan3A_8 step %scan3A_9  : i32 {
      %mul3A_22 = arith.constant 800 : i32
      %mul3A_23 = arith.muli %scan3A_21, %mul3A_22 : i32
      %add3A_24 = arith.constant 0 : i32
      %add3A_25 = arith.addi %add3A_24, %mul3A_23 : i32
      %add3A_26 = arith.addi %mul3A_4, %add3A_25 : i32
      "tpu.region"() ({
        %run_scoped3A = tpu.sem_alloc : memref<!tpu.dma_semaphore, #tpu.memory_space<semaphore_mem>>
        %dma_start3A = tpu.memref_slice %arg3[%add3A_26] : memref<1600000xi32, #tpu.memory_space<hbm>> -> memref<800xi32, #tpu.memory_space<hbm>>
        %dma_start3A_32 = tpu.memref_slice %arg3[%add3A_26] : memref<1600000xi32, #tpu.memory_space<hbm>> -> memref<800xi32, #tpu.memory_space<hbm>>
        tpu.enqueue_dma source(%dma_start3A_32 : memref<800xi32, #tpu.memory_space<hbm>>) target(%arg6 : memref<800xi32, #tpu.memory_space<vmem>>) target_semaphore(%run_scoped3A : memref<!tpu.dma_semaphore, #tpu.memory_space<semaphore_mem>>)
        %dma_wait3A = tpu.memref_slice %arg3[%add3A_26] : memref<1600000xi32, #tpu.memory_space<hbm>> -> memref<800xi32, #tpu.memory_space<hbm>>
        %dma_wait3A_33 = tpu.memref_slice %arg3[%add3A_26] : memref<1600000xi32, #tpu.memory_space<hbm>> -> memref<800xi32, #tpu.memory_space<hbm>>
        tpu.wait_dma2 semaphore(%run_scoped3A : memref<!tpu.dma_semaphore, #tpu.memory_space<semaphore_mem>>) src(%dma_wait3A_33 : memref<800xi32, #tpu.memory_space<hbm>>) dst(%arg6 : memref<800xi32, #tpu.memory_space<vmem>>)
        tpu.yield
      }) : () -> ()
      "tpu.region"() ({
        %run_scoped3A = tpu.sem_alloc : memref<!tpu.dma_semaphore, #tpu.memory_space<semaphore_mem>>
        %dma_start3A = arith.constant 0 : i32
        %dma_start3A_32 = tpu.memref_slice %arg2[%add3A_26, %dma_start3A] : memref<1600000x32xf32, #tpu.memory_space<hbm>> -> memref<800x32xf32, #tpu.memory_space<hbm>>
        %dma_start3A_33 = arith.constant 0 : i32
        %dma_start3A_34 = tpu.memref_slice %arg2[%add3A_26, %dma_start3A_33] : memref<1600000x32xf32, #tpu.memory_space<hbm>> -> memref<800x32xf32, #tpu.memory_space<hbm>>
        tpu.enqueue_dma source(%dma_start3A_34 : memref<800x32xf32, #tpu.memory_space<hbm>>) target(%arg7 : memref<800x32xf32, #tpu.memory_space<vmem>>) target_semaphore(%run_scoped3A : memref<!tpu.dma_semaphore, #tpu.memory_space<semaphore_mem>>)
        %dma_wait3A = arith.constant 0 : i32
        %dma_wait3A_35 = tpu.memref_slice %arg2[%add3A_26, %dma_wait3A] : memref<1600000x32xf32, #tpu.memory_space<hbm>> -> memref<800x32xf32, #tpu.memory_space<hbm>>
        %dma_wait3A_36 = arith.constant 0 : i32
        %dma_wait3A_37 = tpu.memref_slice %arg2[%add3A_26, %dma_wait3A_36] : memref<1600000x32xf32, #tpu.memory_space<hbm>> -> memref<800x32xf32, #tpu.memory_space<hbm>>
        tpu.wait_dma2 semaphore(%run_scoped3A : memref<!tpu.dma_semaphore, #tpu.memory_space<semaphore_mem>>) src(%dma_wait3A_37 : memref<800x32xf32, #tpu.memory_space<hbm>>) dst(%arg7 : memref<800x32xf32, #tpu.memory_space<vmem>>)
        tpu.yield
      }) : () -> ()
      %scan3A_27 = arith.constant 0 : i32
      %scan3A_28 = arith.constant 50 : i32
      %scan3A_29 = arith.addi %scan3A_27, %scan3A_28 : i32
      %scan3A_30 = arith.constant 1 : i32
      scf.for %scan3A_32 = %scan3A_27 to %scan3A_29 step %scan3A_30  : i32 {
        %mul3A_33 = arith.constant 16 : i32
        %mul3A_34 = arith.muli %scan3A_32, %mul3A_33 : i32
        %add3A_35 = arith.constant 0 : i32
        %add3A_36 = arith.addi %add3A_35, %mul3A_34 : i32
        %get3A = arith.index_cast %add3A_36 : i32 to index
        %get3A_37 = tpu.vector_load %arg6[%get3A] {strides = array<i32>} : memref<800xi32, #tpu.memory_space<vmem>>, vector<16xi32>,
        %get3A_38 = vector.shape_cast %get3A_37 : vector<16xi32> to vector<16xi32>
        %ge3A = vector.broadcast %mul3A_0 : i32 to vector<16xi32>
        %ge3A_39 = arith.cmpi sge, %get3A_38, %ge3A : vector<16xi32>
        %add3A_40 = arith.constant 50000 : i32
        %add3A_41 = arith.addi %mul3A_0, %add3A_40 : i32
        %lt3A_42 = vector.broadcast %add3A_41 : i32 to vector<16xi32>
        %lt3A_43 = arith.cmpi slt, %get3A_38, %lt3A_42 : vector<16xi32>
        %and3A = arith.andi %ge3A_39, %lt3A_43 : vector<16xi1>
        %sub3A = vector.broadcast %mul3A_0 : i32 to vector<16xi32>
        %sub3A_44 = arith.subi %get3A_38, %sub3A : vector<16xi32>
        %select_n3A = arith.select %and3A, %sub3A_44, %add3A_6 : vector<16xi1>, vector<16xi32>
        %swap3A = arith.index_cast %add3A_36 : i32 to index
        %swap3A_45 = tpu.vector_load %arg6[%swap3A] {strides = array<i32>} : memref<800xi32, #tpu.memory_space<vmem>>, vector<16xi32>,
        %swap3A_46 = vector.shape_cast %swap3A_45 : vector<16xi32> to vector<16xi32>
        %swap3A_47 = vector.shape_cast %select_n3A : vector<16xi32> to vector<16xi32>
        tpu.vector_store %arg6[%swap3A], %swap3A_47 {strides = array<i32>} : memref<800xi32, #tpu.memory_space<vmem>>, vector<16xi32>,
      }
      %scan3A_31 = arith.constant 50 : i32
      "tpu.region"() ({
        %run_scoped3A = tpu.sem_alloc : memref<!tpu.dma_semaphore, #tpu.memory_space<semaphore_mem>>
        %dma_start3A = arith.constant 0 : i32
        %dma_start3A_32 = arith.constant 0 : i32
        %dma_start3A_33 = tpu.memref_slice %arg8[%dma_start3A, %dma_start3A_32] : memref<50048x32xf32, #tpu.memory_space<vmem_shared>> -> memref<50048x32xf32, #tpu.memory_space<vmem_shared>>
        tpu.enqueue_indirect_dma source(%arg7 : memref<800x32xf32, #tpu.memory_space<vmem>>) target(%dma_start3A_33 : memref<50048x32xf32, #tpu.memory_space<vmem_shared>>) offsets(%arg6 : memref<800xi32, #tpu.memory_space<vmem>>) semaphore(%run_scoped3A : memref<!tpu.dma_semaphore, #tpu.memory_space<semaphore_mem>>) {add = true}
        %dma_wait3A = arith.constant 0 : i32
        %dma_wait3A_34 = arith.constant 0 : i32
        %dma_wait3A_35 = tpu.memref_slice %arg8[%dma_wait3A, %dma_wait3A_34] : memref<50048x32xf32, #tpu.memory_space<vmem_shared>> -> memref<50048x32xf32, #tpu.memory_space<vmem_shared>>
        tpu.wait_indirect_dma semaphore(%run_scoped3A : memref<!tpu.dma_semaphore, #tpu.memory_space<semaphore_mem>>) src(%arg7 : memref<800x32xf32, #tpu.memory_space<vmem>>) dst(%dma_wait3A_35 : memref<50048x32xf32, #tpu.memory_space<vmem_shared>>)
        tpu.yield
      }) : () -> ()
    }
    %scan3A_10 = arith.constant 125 : i32
    %barrier3A_11 = arith.constant 0 : index
    tpu.barrier barrier_id(%barrier3A_11)
    %mul3A_12 = arith.constant 3128 : i32
    %mul3A_13 = arith.muli %arg1, %mul3A_12 : i32
    %add3A_14 = arith.addi %mul3A_0, %mul3A_13 : i32
    %lt3A = arith.constant 15 : i32
    %lt3A_15 = arith.cmpi slt, %arg1, %lt3A : i32
    %convert_element_type3A = arith.extui %lt3A_15 : i1 to i32
    %cond3A = arith.constant 0 : i32
    %cond3A_16 = arith.cmpi ne, %convert_element_type3A, %cond3A : i32
    scf.if %cond3A_16 {
      %mul3A_21 = arith.constant 3128 : i32
      %mul3A_22 = arith.muli %arg1, %mul3A_21 : i32
      "tpu.region"() ({
        %run_scoped3A = tpu.sem_alloc : memref<!tpu.dma_semaphore, #tpu.memory_space<semaphore_mem>>
        %dma_start3A = arith.constant 0 : i32
        %dma_start3A_23 = tpu.memref_slice %arg5[%add3A_14, %dma_start3A] : memref<100000x32xf32, #tpu.memory_space<hbm>> -> memref<3128x32xf32, #tpu.memory_space<hbm>>
        %dma_start3A_24 = arith.constant 0 : i32
        %dma_start3A_25 = tpu.memref_slice %arg8[%mul3A_22, %dma_start3A_24] : memref<50048x32xf32, #tpu.memory_space<vmem_shared>> -> memref<3128x32xf32, #tpu.memory_space<vmem_shared>>
        tpu.enqueue_dma source(%dma_start3A_25 : memref<3128x32xf32, #tpu.memory_space<vmem_shared>>) target(%dma_start3A_23 : memref<3128x32xf32, #tpu.memory_space<hbm>>) target_semaphore(%run_scoped3A : memref<!tpu.dma_semaphore, #tpu.memory_space<semaphore_mem>>)
        %dma_wait3A = arith.constant 0 : i32
        %dma_wait3A_26 = tpu.memref_slice %arg5[%add3A_14, %dma_wait3A] : memref<100000x32xf32, #tpu.memory_space<hbm>> -> memref<3128x32xf32, #tpu.memory_space<hbm>>
        %dma_wait3A_27 = arith.constant 0 : i32
        %dma_wait3A_28 = tpu.memref_slice %arg8[%mul3A_22, %dma_wait3A_27] : memref<50048x32xf32, #tpu.memory_space<vmem_shared>> -> memref<3128x32xf32, #tpu.memory_space<vmem_shared>>
        tpu.wait_dma2 semaphore(%run_scoped3A : memref<!tpu.dma_semaphore, #tpu.memory_space<semaphore_mem>>) src(%dma_wait3A_28 : memref<3128x32xf32, #tpu.memory_space<vmem_shared>>) dst(%dma_wait3A_26 : memref<3128x32xf32, #tpu.memory_space<hbm>>)
        tpu.yield
      }) : () -> ()
    } else {
    }
    %eq3A = arith.constant 15 : i32
    %eq3A_17 = arith.cmpi eq, %arg1, %eq3A : i32
    %convert_element_type3A_18 = arith.extui %eq3A_17 : i1 to i32
    %cond3A_19 = arith.constant 0 : i32
    %cond3A_20 = arith.cmpi ne, %convert_element_type3A_18, %cond3A_19 : i32
    scf.if %cond3A_20 {
      %mul3A_21 = arith.constant 3128 : i32
      %mul3A_22 = arith.muli %arg1, %mul3A_21 : i32
      "tpu.region"() ({
        %run_scoped3A = tpu.sem_alloc : memref<!tpu.dma_semaphore, #tpu.memory_space<semaphore_mem>>
        %dma_start3A = arith.constant 0 : i32
        %dma_start3A_23 = tpu.memref_slice %arg5[%add3A_14, %dma_start3A] : memref<100000x32xf32, #tpu.memory_space<hbm>> -> memref<3080x32xf32, #tpu.memory_space<hbm>>
        %dma_start3A_24 = arith.constant 0 : i32
        %dma_start3A_25 = tpu.memref_slice %arg8[%mul3A_22, %dma_start3A_24] : memref<50048x32xf32, #tpu.memory_space<vmem_shared>> -> memref<3080x32xf32, #tpu.memory_space<vmem_shared>>
        tpu.enqueue_dma source(%dma_start3A_25 : memref<3080x32xf32, #tpu.memory_space<vmem_shared>>) target(%dma_start3A_23 : memref<3080x32xf32, #tpu.memory_space<hbm>>) target_semaphore(%run_scoped3A : memref<!tpu.dma_semaphore, #tpu.memory_space<semaphore_mem>>)
        %dma_wait3A = arith.constant 0 : i32
        %dma_wait3A_26 = tpu.memref_slice %arg5[%add3A_14, %dma_wait3A] : memref<100000x32xf32, #tpu.memory_space<hbm>> -> memref<3080x32xf32, #tpu.memory_space<hbm>>
        %dma_wait3A_27 = arith.constant 0 : i32
        %dma_wait3A_28 = tpu.memref_slice %arg8[%mul3A_22, %dma_wait3A_27] : memref<50048x32xf32, #tpu.memory_space<vmem_shared>> -> memref<3080x32xf32, #tpu.memory_space<vmem_shared>>
        tpu.wait_dma2 semaphore(%run_scoped3A : memref<!tpu.dma_semaphore, #tpu.memory_space<semaphore_mem>>) src(%dma_wait3A_28 : memref<3080x32xf32, #tpu.memory_space<vmem_shared>>) dst(%dma_wait3A_26 : memref<3080x32xf32, #tpu.memory_space<hbm>>)
        tpu.yield
      }) : () -> ()
    } else {
    }
    return
  }
}

module attributes {stable_mosaic.version = 14 : i64} {
  func.func @_pp_body(%arg0: i32, %arg1: memref<5000x128xf32, #tpu.memory_space<vmem>>, %arg2: memref<128x128xf32, #tpu.memory_space<vmem>>, %arg3: memref<5000x128xf32, #tpu.memory_space<vmem>>) attributes {dimension_semantics = [#tpu.dimension_semantics<arbitrary>], iteration_bounds = array<i64: 5>, scalar_prefetch = 0 : i64, scratch_operands = 0 : i64, tpu.core_type = #tpu.core_type<tc>, window_params = [{transform_indices = @transform_0, window_bounds = array<i64: 5000, 128>}, {pipeline_mode = #tpu.pipeline_mode<synchronous>, transform_indices = @transform_1, window_bounds = array<i64: 128, 128>}, {transform_indices = @transform_2, window_bounds = array<i64: 5000, 128>}]} {
    %get3A = arith.constant 0 : index
    %get3A_0 = arith.constant 0 : index
    %get3A_1 = vector.load %arg1[%get3A, %get3A_0] : memref<5000x128xf32, #tpu.memory_space<vmem>>, vector<5000x128xf32>
    %get3A_2 = arith.constant 0 : index
    %get3A_3 = arith.constant 0 : index
    %get3A_4 = vector.load %arg2[%get3A_2, %get3A_3] : memref<128x128xf32, #tpu.memory_space<vmem>>, vector<128x128xf32>
    %dot_general3A = arith.constant dense<0.000000e+00> : vector<5000x128xf32>
    %dot_general3A_5 = tpu.matmul %get3A_1, %get3A_4, %dot_general3A {dimension_numbers = #tpu.dot_dimension_numbers<[1], [0], [0], [1], [0, 0, 1, 1], [], []>, transpose_lhs_hint = false} : vector<5000x128xf32>, vector<128x128xf32>, vector<5000x128xf32> -> vector<5000x128xf32>
    %tanh3A = math.tanh %dot_general3A_5 : vector<5000x128xf32>
    %swap3A = arith.constant 0 : index
    %swap3A_6 = arith.constant 0 : index
    %swap3A_7 = vector.load %arg3[%swap3A, %swap3A_6] : memref<5000x128xf32, #tpu.memory_space<vmem>>, vector<5000x128xf32>
    tpu.vector_store %arg3[%swap3A, %swap3A_6], %tanh3A {strides = array<i32>} : memref<5000x128xf32, #tpu.memory_space<vmem>>, vector<5000x128xf32>,
    return
  }
  func.func @transform_0(%arg0: i32) -> (i32, i32) {
    %c0_i32 = arith.constant 0 : i32
    %c0_i32_0 = arith.constant 0 : i32
    return %arg0, %c0_i32 : i32, i32
  }
  func.func @transform_1(%arg0: i32) -> (i32, i32) {
    %c0_i32 = arith.constant 0 : i32
    %c0_i32_0 = arith.constant 0 : i32
    %c0_i32_1 = arith.constant 0 : i32
    return %c0_i32, %c0_i32_0 : i32, i32
  }
  func.func @transform_2(%arg0: i32) -> (i32, i32) {
    %c0_i32 = arith.constant 0 : i32
    %c0_i32_0 = arith.constant 0 : i32
    return %arg0, %c0_i32 : i32, i32
  }
}

module attributes {stable_mosaic.version = 14 : i64} {
  func.func @_mlp_body(%arg0: i32, %arg1: memref<1000x128xf32, #tpu.memory_space<vmem>>, %arg2: memref<1000x128xf32, #tpu.memory_space<vmem>>, %arg3: memref<1000x32xf32, #tpu.memory_space<vmem>>, %arg4: memref<128x1024xbf16, #tpu.memory_space<vmem>>, %arg5: memref<32x1024xbf16, #tpu.memory_space<vmem>>, %arg6: memref<1024x128xbf16, #tpu.memory_space<vmem>>, %arg7: memref<1000x128xf32, #tpu.memory_space<vmem>>) attributes {dimension_semantics = [#tpu.dimension_semantics<arbitrary>], iteration_bounds = array<i64: 400>, scalar_prefetch = 0 : i64, scratch_operands = 0 : i64, tpu.core_type = #tpu.core_type<tc>, window_params = [{transform_indices = @transform_0, window_bounds = array<i64: 1000, 128>}, {transform_indices = @transform_1, window_bounds = array<i64: 1000, 128>}, {transform_indices = @transform_2, window_bounds = array<i64: 1000, 32>}, {pipeline_mode = #tpu.pipeline_mode<synchronous>, transform_indices = @transform_3, window_bounds = array<i64: 128, 1024>}, {pipeline_mode = #tpu.pipeline_mode<synchronous>, transform_indices = @transform_4, window_bounds = array<i64: 32, 1024>}, {pipeline_mode = #tpu.pipeline_mode<synchronous>, transform_indices = @transform_5, window_bounds = array<i64: 1024, 128>}, {transform_indices = @transform_6, window_bounds = array<i64: 1000, 128>}]} {
    %get3A = arith.constant 0 : index
    %get3A_0 = arith.constant 0 : index
    %get3A_1 = vector.load %arg1[%get3A, %get3A_0] : memref<1000x128xf32, #tpu.memory_space<vmem>>, vector<1000x128xf32>
    %get3A_2 = arith.constant 0 : index
    %get3A_3 = arith.constant 0 : index
    %get3A_4 = vector.load %arg2[%get3A_2, %get3A_3] : memref<1000x128xf32, #tpu.memory_space<vmem>>, vector<1000x128xf32>
    %add3A = arith.addf %get3A_1, %get3A_4 : vector<1000x128xf32>
    %convert_element_type3A = arith.truncf %add3A : vector<1000x128xf32> to vector<1000x128xbf16>
    %get3A_5 = arith.constant 0 : index
    %get3A_6 = arith.constant 0 : index
    %get3A_7 = vector.load %arg4[%get3A_5, %get3A_6] : memref<128x1024xbf16, #tpu.memory_space<vmem>>, vector<128x1024xbf16>
    %dot_general3A = arith.constant dense<0.000000e+00> : vector<1000x1024xf32>
    %dot_general3A_8 = tpu.matmul %convert_element_type3A, %get3A_7, %dot_general3A {dimension_numbers = #tpu.dot_dimension_numbers<[1], [0], [0], [1], [0, 0, 1, 1], [], []>, transpose_lhs_hint = false} : vector<1000x128xbf16>, vector<128x1024xbf16>, vector<1000x1024xf32> -> vector<1000x1024xf32>
    %tanh3A = math.tanh %dot_general3A_8 : vector<1000x1024xf32>
    %get3A_9 = arith.constant 0 : index
    %get3A_10 = arith.constant 0 : index
    %get3A_11 = vector.load %arg3[%get3A_9, %get3A_10] : memref<1000x32xf32, #tpu.memory_space<vmem>>, vector<1000x32xf32>
    %convert_element_type3A_12 = arith.truncf %get3A_11 : vector<1000x32xf32> to vector<1000x32xbf16>
    %get3A_13 = arith.constant 0 : index
    %get3A_14 = arith.constant 0 : index
    %get3A_15 = vector.load %arg5[%get3A_13, %get3A_14] : memref<32x1024xbf16, #tpu.memory_space<vmem>>, vector<32x1024xbf16>
    %dot_general3A_16 = arith.constant dense<0.000000e+00> : vector<1000x1024xf32>
    %dot_general3A_17 = tpu.matmul %convert_element_type3A_12, %get3A_15, %dot_general3A_16 {dimension_numbers = #tpu.dot_dimension_numbers<[1], [0], [0], [1], [0, 0, 1, 1], [], []>, transpose_lhs_hint = false} : vector<1000x32xbf16>, vector<32x1024xbf16>, vector<1000x1024xf32> -> vector<1000x1024xf32>
    %mul3A = arith.mulf %tanh3A, %dot_general3A_17 : vector<1000x1024xf32>
    %convert_element_type3A_18 = arith.truncf %mul3A : vector<1000x1024xf32> to vector<1000x1024xbf16>
    %get3A_19 = arith.constant 0 : index
    %get3A_20 = arith.constant 0 : index
    %get3A_21 = vector.load %arg6[%get3A_19, %get3A_20] : memref<1024x128xbf16, #tpu.memory_space<vmem>>, vector<1024x128xbf16>
    %dot_general3A_22 = arith.constant dense<0.000000e+00> : vector<1000x128xf32>
    %dot_general3A_23 = tpu.matmul %convert_element_type3A_18, %get3A_21, %dot_general3A_22 {dimension_numbers = #tpu.dot_dimension_numbers<[1], [0], [0], [1], [0, 0, 1, 1], [], []>, transpose_lhs_hint = false} : vector<1000x1024xbf16>, vector<1024x128xbf16>, vector<1000x128xf32> -> vector<1000x128xf32>
    %tanh3A_24 = math.tanh %dot_general3A_23 : vector<1000x128xf32>
    %swap3A = arith.constant 0 : index
    %swap3A_25 = arith.constant 0 : index
    %swap3A_26 = vector.load %arg7[%swap3A, %swap3A_25] : memref<1000x128xf32, #tpu.memory_space<vmem>>, vector<1000x128xf32>
    tpu.vector_store %arg7[%swap3A, %swap3A_25], %tanh3A_24 {strides = array<i32>} : memref<1000x128xf32, #tpu.memory_space<vmem>>, vector<1000x128xf32>,
    return
  }
  func.func @transform_0(%arg0: i32) -> (i32, i32) {
    %c0_i32 = arith.constant 0 : i32
    %c0_i32_0 = arith.constant 0 : i32
    return %arg0, %c0_i32 : i32, i32
  }
  func.func @transform_1(%arg0: i32) -> (i32, i32) {
    %c0_i32 = arith.constant 0 : i32
    %c0_i32_0 = arith.constant 0 : i32
    return %arg0, %c0_i32 : i32, i32
  }
  func.func @transform_2(%arg0: i32) -> (i32, i32) {
    %c0_i32 = arith.constant 0 : i32
    %c0_i32_0 = arith.constant 0 : i32
    return %arg0, %c0_i32 : i32, i32
  }
  func.func @transform_3(%arg0: i32) -> (i32, i32) {
    %c0_i32 = arith.constant 0 : i32
    %c0_i32_0 = arith.constant 0 : i32
    %c0_i32_1 = arith.constant 0 : i32
    return %c0_i32, %c0_i32_0 : i32, i32
  }
  func.func @transform_4(%arg0: i32) -> (i32, i32) {
    %c0_i32 = arith.constant 0 : i32
    %c0_i32_0 = arith.constant 0 : i32
    %c0_i32_1 = arith.constant 0 : i32
    return %c0_i32, %c0_i32_0 : i32, i32
  }
  func.func @transform_5(%arg0: i32) -> (i32, i32) {
    %c0_i32 = arith.constant 0 : i32
    %c0_i32_0 = arith.constant 0 : i32
    %c0_i32_1 = arith.constant 0 : i32
    return %c0_i32, %c0_i32_0 : i32, i32
  }
  func.func @transform_6(%arg0: i32) -> (i32, i32) {
    %c0_i32 = arith.constant 0 : i32
    %c0_i32_0 = arith.constant 0 : i32
    return %arg0, %c0_i32 : i32, i32
  }
}

</mosaic_0001>

<sc_bundles>
// kernel: kernel.6.cloned.1.call-start
scs
__scs_entry_jumppad:
0x0: {  	(pc) =	sbr.rel $0x88, $3  }
0x1: {  	(tag) =	ssettag $0x0;
	lr =	simm.s32 $0x1  }
0x2: {  	[smem:$0x3F9A] =	sst lr;
	_ =	strace $0xD0000000  }
0x3: {  	_ = 	snop  }
0x4: {  	_ = 	snop  }
0x5: {  	_ = 	snop  }
0x6: {  	_ = 	snop  }
0x7: {  	_ = 	snop  }
__scs_overlays_trampoline_lowered:
0x8: {  	[smem:$0x3FA9] =	sst s0  }
0x9: {  	[smem:$0x3FAA] =	sst s1  }
0xa: {  	[smem:$0x3FAB] =	sst s2  }
0xb: {  	[smem:$0x3FAC] =	sst s3  }
0xc: {  	[smem:$0x3FAD] =	sst s4  }
0xd: {  	[smem:$0x3FAE] =	sst s5  }
0xe: {  	[smem:$0x3FAF] =	sst s6  }
0xf: {  	[smem:$0x3FB0] =	sst s7  }
0x10: {  	[smem:$0x3FB1] =	sst s8  }
0x11: {  	[smem:$0x3FB2] =	sst s9;
	s0 =	simm.s32 @!p0 $0x0  }
0x12: {  	s1 =	sld [smem:$0x3F98];
	s0 =	simm.s32 @p0 $0x1  }
0x13: {  	[smem:$0x3FB3] =	sst s0;
	s0 =	simm.s32 @!p1 $0x0  }
0x14: {  	s2 =	sld [smem:$0x3F97];
	s0 =	simm.s32 @p1 $0x1  }
0x15: {  	[smem:$0x3FB4] =	sst s0;
	s0 =	simm.s32 @!p2 $0x0  }
0x16: {  	s3 =	sld [smem:$0x3FDB];
	s0 =	simm.s32 @p2 $0x1  }
0x17: {  	s4 =	simm.s32 $0x1BF5;
	[smem:$0x3FB6] =	sst s0  }
0x18: {  	s0 =	sld [smem:$0x3F99];
	_ =	swait.ge [sflag:s4], $0x0  }
0x19: {  	s7 =	sld [smem:$0x3F9A]  }
0x1a: {  	s8 =	sadd.s32 $0xFFFFE003, lr  }
0x1b: {  	s9 =	sadd.s32 $0xFFFFFEF7, lr;
	s5 =	simm.s32 $0xFFFFFFFF;
	p2 =	slt.u32 s8, $0xFFFFF086  }
0x1c: {  	p1 =	slt.u32 s9, $0xF7A;
	s5 =	simm.s32 @!p2 $0x0  }
0x1d: {  	s5 =	simm.s32 @p1 $0x1;
	p0 =	seq.s32 s7, s2  }
0x1e: {  	s7 =	smul.u32 @!p0 $0xF7A, s2;
	p2 =	seq.s32 @!p0 s5, $0x0  }
0x1f: {  	s9 =	smul.u32 $0xF7A, s1;
	s8 =	simm.s32 @!p0 $0x1BF5;
	p2 =	por !p2, p0  }
0x20: {  	[sflag:s8] =	ssyncset.s32 @!p0 $0xFFFFF086;
	s6 =	sadd.s32 @!p0 s3, s7;
	s7 =	simm.s32 @!p0 $0x108  }
0x21: {  	s3 =	sadd.s32 s3, s9;
	s6 =	sadd.s32 @!p0 $0x88, s6;
	s7 =	simm.s32 @p2 $0x1082  }
0x22: {  	[simem:s7], [sflag:s8] =	dma.local @!p0 [hbm:s6], $0xF7A  }
0x23: {  	s9 =	sor.u32 $0xD0000000, s2;
	s6 =	simm.s32 $0x108;
	_ =	swait.ge @!p0 [sflag:s8], $0x0  }
0x24: {  	s3 =	sadd.s32 $0x88, s3;
	s6 =	simm.s32 @!p1 $0x1082;
	[sflag:s4] =	ssyncset.s32 $0xFFFFF086  }
0x25: {  	[simem:s6], [sflag:s4] =	dma.local [hbm:s3], $0xF7A  }
0x26: {  	[smem:$0x3F9A] =	sst s1;
	(tag) =	ssettag s2;
	_ =	strace s9  }
0x27: {  	s1 =	sld [smem:$0x3FAA]  }
0x28: {  	s2 =	sld [smem:$0x3FAB]  }
0x29: {  	s4 =	sld [smem:$0x3FAD]  }
0x2a: {  	p0 =	seq.s32 s5, $0x0;
	s5 =	sld [smem:$0x3FAE]  }
0x2b: {  	s6 =	sld [smem:$0x3FAF]  }
0x2c: {  	s7 =	sld [smem:$0x3FB0]  }
0x2d: {  	s3 =	simm.s32 $0x108;
	s8 =	sld [smem:$0x3FB1]  }
0x2e: {  	s3 =	simm.s32 @!p0 $0x1082;
	s9 =	sld [smem:$0x3FB2]  }
0x2f: {  	lr =	sadd.s32 s0, s3;
	s0 =	sld [smem:$0x3FA9]  }
0x30: {  	s3 =	sld [smem:$0x3FAC]  }
0x31: {  	[smem:$0x3FB5] =	sst s10  }
0x32: {  	s10 =	sld [smem:$0x3FB3];
	_ =	sdelay $0x3  }
0x33: {  	p0 =	seq.s32 s10, $0x1;
	s10 =	sld [smem:$0x3FB5];
	_ =	sdelay $0x3  }
0x34: {  	[smem:$0x3FB5] =	sst s10  }
0x35: {  	s10 =	sld [smem:$0x3FB4];
	_ =	sdelay $0x3  }
0x36: {  	p1 =	seq.s32 s10, $0x1;
	s10 =	sld [smem:$0x3FB5];
	_ =	sdelay $0x3  }
0x37: {  	[smem:$0x3FB5] =	sst s10  }
0x38: {  	s10 =	sld [smem:$0x3FB6]  }
0x39: {  	_ = 	snop;
	(pc) =	sbr.ind lr, $3  }
0x3a: {  	_ = 	snop  }
0x3b: {  	_ = 	snop  }
0x3c: {  	p2 =	seq.s32 s10, $0x1;
	s10 =	sld [smem:$0x3FB5]  }
0x3d: {  	_ =	shalt  }
0x3e: {  	_ =	shalt  }
0x3f: {  	_ =	shalt  }
0x40: {  	_ =	shalt  }
0x41: {  	_ =	shalt  }
0x42: {  	_ =	shalt  }
0x43: {  	_ =	shalt  }
0x44: {  	_ =	shalt  }
0x45: {  	_ =	shalt  }
0x46: {  	_ =	shalt  }
0x47: {  	_ =	shalt  }
0x48: {  	_ =	shalt  }
0x49: {  	_ =	shalt  }
0x4a: {  	_ =	shalt  }
0x4b: {  	_ =	shalt  }
0x4c: {  	_ =	shalt  }
0x4d: {  	_ =	shalt  }
0x4e: {  	_ =	shalt  }
0x4f: {  	_ =	shalt  }
0x50: {  	_ =	shalt  }
0x51: {  	_ =	shalt  }
0x52: {  	_ =	shalt  }
0x53: {  	_ =	shalt  }
0x54: {  	_ =	shalt  }
0x55: {  	_ =	shalt  }
0x56: {  	_ =	shalt  }
0x57: {  	_ =	shalt  }
0x58: {  	_ =	shalt  }
0x59: {  	_ =	shalt  }
0x5a: {  	_ =	shalt  }
0x5b: {  	_ =	shalt  }
0x5c: {  	_ =	shalt  }
0x5d: {  	_ =	shalt  }
0x5e: {  	_ =	shalt  }
0x5f: {  	_ =	shalt  }
0x60: {  	_ =	shalt  }
0x61: {  	_ =	shalt  }
0x62: {  	_ =	shalt  }
0x63: {  	_ =	shalt  }
0x64: {  	_ =	shalt  }
0x65: {  	_ =	shalt  }
0x66: {  	_ =	shalt  }
0x67: {  	_ =	shalt  }
0x68: {  	_ =	shalt  }
0x69: {  	_ =	shalt  }
0x6a: {  	_ =	shalt  }
0x6b: {  	_ =	shalt  }
0x6c: {  	_ =	shalt  }
0x6d: {  	_ =	shalt  }
0x6e: {  	_ =	shalt  }
0x6f: {  	_ =	shalt  }
0x70: {  	_ =	shalt  }
0x71: {  	_ =	shalt  }
0x72: {  	_ =	shalt  }
0x73: {  	_ =	shalt  }
0x74: {  	_ =	shalt  }
0x75: {  	_ =	shalt  }
0x76: {  	_ =	shalt  }
0x77: {  	_ =	shalt  }
0x78: {  	_ =	shalt  }
0x79: {  	_ =	shalt  }
0x7a: {  	_ =	shalt  }
0x7b: {  	_ =	shalt  }
0x7c: {  	_ =	shalt  }
0x7d: {  	_ =	shalt  }
0x7e: {  	_ =	shalt  }
0x7f: {  	_ =	shalt  }
0x80: {  	_ =	shalt  }
0x81: {  	_ =	shalt  }
0x82: {  	_ =	shalt  }
0x83: {  	_ =	shalt  }
0x84: {  	_ =	shalt  }
0x85: {  	_ =	shalt  }
0x86: {  	_ =	shalt  }
0x87: {  	_ =	shalt  }
.Lfunc_end0:
.L_simem_size_0:
called_computation.1_lowered:
.L_overlay_start_0:
0x88: {  	s2 =	sld [smem:$0x3FD9]  }
0x89: {  	s3 =	sld [smem:$0x3FFE];
	_ =	sdelay $0x1  }
0x8a: {  	s1 =	srdreg.scid  }
0x8b: {  	s0 =	sand.u32 $0x1, s1  }
0x8c: {  	s14 =	sshll.u32 s0, $0xA;
	s2 =	sadd.s32 s3, s2  }
0x8d: {  	s2 =	sadd.s32 s2, s14  }
0x8e: {  	[smem:$0x3FC1] =	sst s2  }
0x8f: {  	_ = 	snop  }
0x90: {  	s2 =	sld [smem:$0x3FD0];
	_ =	sdelay $0x1  }
0x91: {  	s15 =	sld [smem:$0x3FC9]  }
0x92: {  	s5 =	simm.s32 $0xB;
	s6 =	simm.s32 $0x10;
	s4 =	sld [smem:$0x3FC8]  }
0x93: {  	[smem:s6], [sflag:s5] =	dma.local [hbm:s2], $0x1  }
0x94: {  	_ =	swait.eq [sflag:s5], $0x1  }
0x95: {  	[sflag:s5] =	ssyncset.done $0x0  }
0x96: {  	[sflag:s5] =	ssyncadd.s32 $0xFFFFFFFF  }
0x97: {  	s16 =	sld [smem:$0x10];
	(tm) =	ssettm $0x1  }
0x98: {  	s17 =	sld [smem:$0x3FFB];
	_ =	sdelay $0x3  }
0x99: {  	_ =	strace s17  }
0x9a: {  	s5 =	sld [smem:$0x3FFC];
	_ =	sdelay $0x3  }
0x9b: {  	_ =	strace s5  }
0x9c: {  	s5 =	sld [smem:$0x3FFD];
	_ =	sdelay $0x3  }
0x9d: {  	_ =	strace s5  }
0x9e: {  	_ =	strace $0x8FFFFFFF  }
0x9f: {  	s18 =	sld [smem:$0x3FDB];
	_ =	sdelay $0x1  }
0xa0: {  	s19 =	simm.s32 $_scs_section_size  }
0xa1: {  	s7 =	simm.s32 $_size__tile_overlayer_lowered;
	s8 =	simm.s32 $_tile_overlayer_lowered  }
0xa2: {  	s22 =	simm.s32 $0x1BFF;
	s21 =	sshll.u32 s8, $0x1;
	s5 =	sadd.s32 s19, s18  }
0xa3: {  	s9 =	simm.s32 $0x0;
	s20 =	sshll.u32 s7, $0x1;
	s7 =	sadd.s32 s21, s5  }
0xa4: {  	[timem:s9], [sflag:s22] =	dma.local [hbm:s7], s20  }
0xa5: {  	_ =	swait.ge [sflag:s22], s20  }
0xa6: {  	s6 =	ssub.s32 $0x0, s20;
	[sflag:s22] =	ssyncset.done $0x0  }
0xa7: {  	[sflag:s22] =	ssyncadd.s32 s6;
	_ =	sdelay $0x1  }
0xa8: {  	s23 =	simm.s32 $0x1B8B  }
0xa9: {  	_ =	swait.ge [sflag:s23], $0x1  }
0xaa: {  	[sflag:s23] =	ssyncset.done $0x0  }
0xab: {  	s25 =	simm.s32 $0x1B8E;
	s24 =	sld [smem:$0x3FFE];
	[sflag:s23] =	ssyncadd.s32 $0xFFFFFFFF  }
0xac: {  	s26 =	simm.s32 $execute0_lowered;
	[smem:$0x3FD2] =	sst s25  }
0xad: {  	s7 =	sshll.u32 s26, $0x1;
	_ =	strace $0x80000046;
	[dreg:$0x1] =	wrdreg $0xFFFFFFFF  }
0xae: {  	s28 =	simm.s32 $_size_execute0_lowered;
	s5 =	sadd.s32 s5, s7;
	[dreg:$0x0] =	wrdreg $0x0  }
0xaf: {  	s7 =	sshll.u32 s28, $0x1;
	[dreg:$0x2] =	wrdreg s5  }
0xb0: {  	[dreg:$0x3] =	wrdreg s7  }
0xb1: {  	[dreg:$0x4] =	wrdreg $0xC0  }
0xb2: {  	_ =	task [dreg:s9], $0x5FFFF  }
0xb3: {  	[dreg:$0x1] =	wrdreg $0xFFFFFFFF  }
0xb4: {  	[dreg:$0x0] =	wrdreg $0x60  }
0xb5: {  	[dreg:$0x2] =	wrdreg s16  }
0xb6: {  	[dreg:$0x3] =	wrdreg s15  }
0xb7: {  	[dreg:$0x4] =	wrdreg s4  }
0xb8: {  	[dreg:$0x5] =	wrdreg s24  }
0xb9: {  	[dreg:$0x6] =	wrdreg $0x9  }
0xba: {  	_ =	task.clear_ibuf [dreg:s9], $0x7FFFF;
	_ =	strace $0x90000046  }
0xbb: {  	s29 =	simm.s32 $0x9;
	_ =	strace $0x80000048  }
0xbc: {  	_ =	swait.ge [sflag:s29], $0x1  }
0xbd: {  	[sflag:s29] =	ssyncadd.s32 $0xFFFFFFFF  }
0xbe: {  	_ =	strace $0x90000048  }
0xbf: {  	_ =	sfence  }
0xc0: {  	s30 =	sld [smem:$0x0];
	_ =	sdelay $0x2  }
0xc1: {  	s31 =	sshll.u32 s1, $0xD;
	s1 =	sshrl.u32 s1, $0x2  }
0xc2: {  	s3 =	sand.u32 $0x4000, s31;
	s1 =	sadd.s32 s1, s30  }
0xc3: {  	s0 =	sor.u32 s3, s0;
	s1 =	sshll.u32 s1, $0x11  }
0xc4: {  	s0 =	sor.u32 s1, s0  }
0xc5: {  	s0 =	sadd.s32 $0x8F2B, s0  }
0xc6: {  	[sflag:s0] =	ssyncadd.remote.s32 $0x1  }
0xc7: {  	_ =	sfence.sel $0xFFFF  }
0xc8: {  	[dreg:$0x0] =	wrdreg $0xFFFFFFFF;
	(pc) =	sbr.abs _section_cstart, $3  }
0xc9: {  	[dreg:$0x1] =	wrdreg $0xFFFFFFFF  }
0xca: {  	_ =	task.clear_ibuf [dreg:s9], $0x2FFFF;
	_ =	strace $0x9FFFFFFF  }
0xcb: {  	(tm) =	ssettm $0x7FFFFFFF  }
tec
execute0_lowered:
.L_overlay_start_1:
0x0: {  	(tag) =	ssettag $0x1  }
0x1: {  	s1 =	rddreg [dreg:$0x0]  }
0x2: {  	s8 =	rddreg [dreg:$0x1]  }
0x3: {  	s7 =	rddreg [dreg:$0x2]  }
0x4: {  	s0 =	stileid.u32;
	s2 =	srdreg.scid  }
0x5: {  	s4 =	rddreg [dreg:$0x3];
	s5 =	smul.u32 $0x61A80, s0  }
0x6: {  	s3 =	simm.s32 $0x0;
	s6 =	sand.u32 $0x1, s2;
	s11 =	smul.u32 $0x186A0, s0  }
0x7: {  	s2 =	rddreg [dreg:$0x4];
	s9 =	smul.u32 $0x30D40, s6;
	s10 =	ssub.s32 $0x2, s6  }
0x8: {  	[smem:$0x7FF] =	sst s3;
	s6 =	smul.u32 $0xC350, s6;
	s12 =	sshrl.u32 s10, $0x1  }
0x9: {  	_ =	strace $0x80000047;
	s5 =	sadd.s32 s5, s4;
	s29 =	ssub.s32 s10, s12  }
0xa: {  	s9 =	sadd.s32 s9, s5;
	s30 =	sadd.s32 s6, s11;
	s10 =	simm.s32 $0x7D0  }
0xb: {  	s11 =	simm.s32 $0x1;
	s12 =	simm.s32 $0x0;
	s4 =	smax.u32 s29, $0x1  }
0xc: {  	s5 =	sadd.s32 $0x61C600, s9;
	s6 =	sadd.s32 $0x1E00, s9;
	s31 =	sshrl.u32 s30, $0x3  }
0xd: {  	s9 =	simm.s32 $0x2;
	s7 =	sadd.s32 s31, s7;
	s8 =	sadd.s32 s31, s8  }
.LBB2_1:
0xe: {  	s13 =	sadd.s32 $0x0, s8  }
0xf: {  	[tilespmem:s3], [sflag:$0x2] =	stream.linear.gather [hbm4b:s13+s3], $0x7D0, $0x38;
	[tilespmem:$0x101D0] =	vst v63  }
0x10: {  	_ =	swait.ge [sflag:s9], $0x7D0  }
0x11: {  	[sflag:s9] =	ssyncset.done $0x0  }
0x12: {  	[sflag:s9] =	ssyncadd.s32 $0xFFFFF830  }
0x13: {  	[tilespmem:s10], [sflag:$0x1] =	stream.indirect.gather [hbm4b:s1+s10], $0x20, s3, s10, $0xb8;
	[tilespmem:$0x101D0] =	vst v63  }
0x14: {  	_ =	swait.ge [sflag:s11], $0xFA00  }
0x15: {  	[sflag:s11] =	ssyncset.done $0x0  }
0x16: {  	[sflag:s11] =	ssyncadd.s32 $0xFFFF0600  }
0x17: {  	[hbm4b:s6+s3] =	stream.linear.scatter [tilespmem:s10], [sflag:$0x2], $0xFA00, $0x38;
	[tilespmem:$0x101D0] =	vst v63  }
0x18: {  	_ =	swait.ge [sflag:s9], $0xFA00  }
0x19: {  	[sflag:s9] =	ssyncset.done $0x0  }
0x1a: {  	s31 =	sadd.s32 $0x0, s7;
	[sflag:s9] =	ssyncadd.s32 $0xFFFF0600  }
0x1b: {  	[tilespmem:s3], [sflag:$0x2] =	stream.linear.gather [hbm4b:s31+s3], $0x7D0, $0x38;
	[tilespmem:$0x101D0] =	vst v63  }
0x1c: {  	_ =	swait.ge [sflag:s9], $0x7D0  }
0x1d: {  	[sflag:s9] =	ssyncset.done $0x0  }
0x1e: {  	[sflag:s9] =	ssyncadd.s32 $0xFFFFF830  }
0x1f: {  	[tilespmem:s10], [sflag:$0x1] =	stream.indirect.gather [hbm4b:s1+s10], $0x20, s3, s10, $0xb8;
	[tilespmem:$0x101D0] =	vst v63  }
0x20: {  	_ =	swait.ge [sflag:s11], $0xFA00  }
0x21: {  	[sflag:s11] =	ssyncset.done $0x0  }
0x22: {  	[sflag:s11] =	ssyncadd.s32 $0xFFFF0600  }
0x23: {  	[hbm4b:s5+s3] =	stream.linear.scatter [tilespmem:s10], [sflag:$0x2], $0xFA00, $0x38;
	[tilespmem:$0x101D0] =	vst v63  }
0x24: {  	s14 =	simm.s32 $0xFA;
	s16 =	simm.s32 $0x1F4;
	_ =	swait.ge [sflag:s9], $0xFA00  }
0x25: {  	s15 =	sadd.s32 $0x1F40, s6;
	s13 =	sadd.s32 $0x1F40, s5;
	[sflag:s9] =	ssyncset.done $0x0  }
.LBB2_2:
0x26: {  	s17 =	sadd.s32 s14, s8  }
0x27: {  	[sflag:s9] =	ssyncadd.s32 $0xFFFF0600;
	s18 =	smov.u32 s16;
	s19 =	sadd.s32 $0xFA, s16  }
0x28: {  	[tilespmem:s3], [sflag:$0x2] =	stream.linear.gather [hbm4b:s17+s3], $0x7D0, $0x38;
	[tilespmem:$0x101D0] =	vst v63  }
0x29: {  	p0 =	sne.s32 s16, $0x1770;
	_ =	swait.ge [sflag:s9], $0x7D0  }
0x2a: {  	[sflag:s9] =	ssyncset.done $0x0  }
0x2b: {  	[sflag:s9] =	ssyncadd.s32 $0xFFFFF830  }
0x2c: {  	[tilespmem:s10], [sflag:$0x1] =	stream.indirect.gather [hbm4b:s1+s10], $0x20, s3, s10, $0xb8;
	[tilespmem:$0x101D0] =	vst v63  }
0x2d: {  	_ =	swait.ge [sflag:s11], $0xFA00  }
0x2e: {  	[sflag:s11] =	ssyncset.done $0x0  }
0x2f: {  	[sflag:s11] =	ssyncadd.s32 $0xFFFF0600  }
0x30: {  	[hbm4b:s15+s3] =	stream.linear.scatter [tilespmem:s10], [sflag:$0x2], $0xFA00, $0x38;
	[tilespmem:$0x101D0] =	vst v63  }
0x31: {  	_ =	swait.ge [sflag:s9], $0xFA00  }
0x32: {  	[sflag:s9] =	ssyncset.done $0x0  }
0x33: {  	s16 =	sadd.s32 s14, s7;
	s14 =	smov.u32 s18;
	[sflag:s9] =	ssyncadd.s32 $0xFFFF0600  }
0x34: {  	[tilespmem:s3], [sflag:$0x2] =	stream.linear.gather [hbm4b:s16+s3], $0x7D0, $0x38;
	[tilespmem:$0x101D0] =	vst v63  }
0x35: {  	_ =	swait.ge [sflag:s9], $0x7D0  }
0x36: {  	[sflag:s9] =	ssyncset.done $0x0  }
0x37: {  	[sflag:s9] =	ssyncadd.s32 $0xFFFFF830  }
0x38: {  	[tilespmem:s10], [sflag:$0x1] =	stream.indirect.gather [hbm4b:s1+s10], $0x20, s3, s10, $0xb8;
	[tilespmem:$0x101D0] =	vst v63  }
0x39: {  	_ =	swait.ge [sflag:s11], $0xFA00  }
.Ltmp0:
0x3a: {  	[sflag:s11] =	ssyncset.done $0x0;
	(pc) =	sbr.rel @p0 .LBB2_2-.Ltmp0, $4  }
0x3b: {  	[sflag:s11] =	ssyncadd.s32 $0xFFFF0600  }
0x3c: {  	[hbm4b:s13+s3] =	stream.linear.scatter [tilespmem:s10], [sflag:$0x2], $0xFA00, $0x38;
	[tilespmem:$0x101D0] =	vst v63  }
0x3d: {  	s15 =	sadd.s32 $0x1F40, s15;
	_ =	swait.ge [sflag:s9], $0xFA00  }
0x3e: {  	s16 =	smov.u32 s19;
	s13 =	sadd.s32 $0x1F40, s13;
	[sflag:s9] =	ssyncset.done $0x0  }
0x3f: {  	s16 =	sadd.s32 s14, s8;
	[sflag:s9] =	ssyncadd.s32 $0xFFFF0600  }
0x40: {  	[tilespmem:s3], [sflag:$0x2] =	stream.linear.gather [hbm4b:s16+s3], $0x7D0, $0x38;
	[tilespmem:$0x101D0] =	vst v63  }
0x41: {  	_ =	swait.ge [sflag:s9], $0x7D0  }
0x42: {  	[sflag:s9] =	ssyncset.done $0x0  }
0x43: {  	[sflag:s9] =	ssyncadd.s32 $0xFFFFF830  }
0x44: {  	[tilespmem:s10], [sflag:$0x1] =	stream.indirect.gather [hbm4b:s1+s10], $0x20, s3, s10, $0xb8;
	[tilespmem:$0x101D0] =	vst v63  }
0x45: {  	_ =	swait.ge [sflag:s11], $0xFA00  }
0x46: {  	[sflag:s11] =	ssyncset.done $0x0  }
0x47: {  	[sflag:s11] =	ssyncadd.s32 $0xFFFF0600  }
0x48: {  	[hbm4b:s15+s3] =	stream.linear.scatter [tilespmem:s10], [sflag:$0x2], $0xFA00, $0x38;
	[tilespmem:$0x101D0] =	vst v63  }
0x49: {  	_ =	swait.ge [sflag:s9], $0xFA00  }
0x4a: {  	[sflag:s9] =	ssyncset.done $0x0  }
0x4b: {  	s31 =	sadd.s32 s14, s7;
	[sflag:s9] =	ssyncadd.s32 $0xFFFF0600  }
0x4c: {  	[tilespmem:s3], [sflag:$0x2] =	stream.linear.gather [hbm4b:s31+s3], $0x7D0, $0x38;
	[tilespmem:$0x101D0] =	vst v63  }
0x4d: {  	_ =	swait.ge [sflag:s9], $0x7D0  }
0x4e: {  	[sflag:s9] =	ssyncset.done $0x0  }
0x4f: {  	[sflag:s9] =	ssyncadd.s32 $0xFFFFF830  }
0x50: {  	[tilespmem:s10], [sflag:$0x1] =	stream.indirect.gather [hbm4b:s1+s10], $0x20, s3, s10, $0xb8;
	[tilespmem:$0x101D0] =	vst v63  }
0x51: {  	s12 =	sadd.s32 $0x1, s12;
	_ =	swait.ge [sflag:s11], $0xFA00  }
0x52: {  	p0 =	sne.s32 s12, s4;
	[sflag:s11] =	ssyncset.done $0x0  }
.Ltmp1:
0x53: {  	[sflag:s11] =	ssyncadd.s32 $0xFFFF0600;
	(pc) =	sbr.rel @p0 .LBB2_1-.Ltmp1, $4  }
0x54: {  	[hbm4b:s13+s3] =	stream.linear.scatter [tilespmem:s10], [sflag:$0x2], $0xFA00, $0x38;
	[tilespmem:$0x101D0] =	vst v63  }
0x55: {  	_ =	swait.ge [sflag:s9], $0xFA00  }
0x56: {  	[sflag:s9] =	ssyncset.done $0x0  }
0x57: {  	[sflag:s9] =	ssyncadd.s32 $0xFFFF0600  }
0x58: {  	_ =	sfence.sel $0x180000  }
0x59: {  	[bflag:$0x0] =	sbarrier.arrive $0xFFFF  }
0x5a: {  	p0 =	sne.s32 s0, $0x0;
	_ =	strace $0x90000047  }
0x5b: {  	s0 =	sadd.s32 @!p0 $0x100000, s2;
	[bflag:$0x2] =	sbarrier.arrive $0xFFFF  }
0x5c: {  	[sflag:s0] =	ssyncadd.tile.s32 @!p0 $0x1;
	_ =	shalt  }
.Lfunc_end2:
_tile_overlayer_lowered:
.L_overlay_start_2:
0x5d: {  	(tag) =	ssettag $0x2  }
0x5e: {  	s0 =	rddreg [dreg:$0x0];
	s2 =	stileid.u32  }
0x5f: {  	s1 =	rddreg [dreg:$0x1];
	p0 =	sne.s32 s2, $0x0  }
0x60: {  	s3 =	rddreg [dreg:$0x2];
	[bflag:$0x3] =	sbarrier.arrive $0xFFFF;
	s2 =	simm.s32 @!p0 $0x1C02  }
0x61: {  	[timem:s3], [sflag:s2] =	dma.local @!p0 [hbm:s0], s1  }
0x62: {  	s0 =	simm.s32 @!p0 $0x2  }
0x63: {  	_ =	swait.ge @!p0 [sflag:s0], s1  }
0x64: {  	s1 =	ssub.s32 @!p0 $0x0, s1;
	[sflag:s0] =	ssyncset.done @!p0 $0x0  }
0x65: {  	[sflag:s0] =	ssyncadd.s32 @!p0 s1  }
0x66: {  	[bflag:$0x3] =	sbarrier.arrive $0xFFFF  }
0x67: {  	_ =	shalt  }

// kernel: kernel.9.cloned.1.call-start
scs
__scs_entry_jumppad:
0x0: {  	(pc) =	sbr.rel $0x88, $3  }
0x1: {  	(tag) =	ssettag $0x0;
	lr =	simm.s32 $0x1  }
0x2: {  	[smem:$0x3F9A] =	sst lr;
	_ =	strace $0xD0000000  }
0x3: {  	_ = 	snop  }
0x4: {  	_ = 	snop  }
0x5: {  	_ = 	snop  }
0x6: {  	_ = 	snop  }
0x7: {  	_ = 	snop  }
__scs_overlays_trampoline_lowered:
0x8: {  	[smem:$0x3FA9] =	sst s0  }
0x9: {  	[smem:$0x3FAA] =	sst s1  }
0xa: {  	[smem:$0x3FAB] =	sst s2  }
0xb: {  	[smem:$0x3FAC] =	sst s3  }
0xc: {  	[smem:$0x3FAD] =	sst s4  }
0xd: {  	[smem:$0x3FAE] =	sst s5  }
0xe: {  	[smem:$0x3FAF] =	sst s6  }
0xf: {  	[smem:$0x3FB0] =	sst s7  }
0x10: {  	[smem:$0x3FB1] =	sst s8  }
0x11: {  	[smem:$0x3FB2] =	sst s9;
	s0 =	simm.s32 @!p0 $0x0  }
0x12: {  	s1 =	sld [smem:$0x3F98];
	s0 =	simm.s32 @p0 $0x1  }
0x13: {  	[smem:$0x3FB3] =	sst s0;
	s0 =	simm.s32 @!p1 $0x0  }
0x14: {  	s2 =	sld [smem:$0x3F97];
	s0 =	simm.s32 @p1 $0x1  }
0x15: {  	[smem:$0x3FB4] =	sst s0;
	s0 =	simm.s32 @!p2 $0x0  }
0x16: {  	s3 =	sld [smem:$0x3FDB];
	s0 =	simm.s32 @p2 $0x1  }
0x17: {  	s4 =	simm.s32 $0x1BF5;
	[smem:$0x3FB6] =	sst s0  }
0x18: {  	s0 =	sld [smem:$0x3F99];
	_ =	swait.ge [sflag:s4], $0x0  }
0x19: {  	s7 =	sld [smem:$0x3F9A]  }
0x1a: {  	s8 =	sadd.s32 $0xFFFFE003, lr  }
0x1b: {  	s9 =	sadd.s32 $0xFFFFFEF7, lr;
	s5 =	simm.s32 $0xFFFFFFFF;
	p2 =	slt.u32 s8, $0xFFFFF086  }
0x1c: {  	p1 =	slt.u32 s9, $0xF7A;
	s5 =	simm.s32 @!p2 $0x0  }
0x1d: {  	s5 =	simm.s32 @p1 $0x1;
	p0 =	seq.s32 s7, s2  }
0x1e: {  	s7 =	smul.u32 @!p0 $0xF7A, s2;
	p2 =	seq.s32 @!p0 s5, $0x0  }
0x1f: {  	s9 =	smul.u32 $0xF7A, s1;
	s8 =	simm.s32 @!p0 $0x1BF5;
	p2 =	por !p2, p0  }
0x20: {  	[sflag:s8] =	ssyncset.s32 @!p0 $0xFFFFF086;
	s6 =	sadd.s32 @!p0 s3, s7;
	s7 =	simm.s32 @!p0 $0x108  }
0x21: {  	s3 =	sadd.s32 s3, s9;
	s6 =	sadd.s32 @!p0 $0x88, s6;
	s7 =	simm.s32 @p2 $0x1082  }
0x22: {  	[simem:s7], [sflag:s8] =	dma.local @!p0 [hbm:s6], $0xF7A  }
0x23: {  	s9 =	sor.u32 $0xD0000000, s2;
	s6 =	simm.s32 $0x108;
	_ =	swait.ge @!p0 [sflag:s8], $0x0  }
0x24: {  	s3 =	sadd.s32 $0x88, s3;
	s6 =	simm.s32 @!p1 $0x1082;
	[sflag:s4] =	ssyncset.s32 $0xFFFFF086  }
0x25: {  	[simem:s6], [sflag:s4] =	dma.local [hbm:s3], $0xF7A  }
0x26: {  	[smem:$0x3F9A] =	sst s1;
	(tag) =	ssettag s2;
	_ =	strace s9  }
0x27: {  	s1 =	sld [smem:$0x3FAA]  }
0x28: {  	s2 =	sld [smem:$0x3FAB]  }
0x29: {  	s4 =	sld [smem:$0x3FAD]  }
0x2a: {  	p0 =	seq.s32 s5, $0x0;
	s5 =	sld [smem:$0x3FAE]  }
0x2b: {  	s6 =	sld [smem:$0x3FAF]  }
0x2c: {  	s7 =	sld [smem:$0x3FB0]  }
0x2d: {  	s3 =	simm.s32 $0x108;
	s8 =	sld [smem:$0x3FB1]  }
0x2e: {  	s3 =	simm.s32 @!p0 $0x1082;
	s9 =	sld [smem:$0x3FB2]  }
0x2f: {  	lr =	sadd.s32 s0, s3;
	s0 =	sld [smem:$0x3FA9]  }
0x30: {  	s3 =	sld [smem:$0x3FAC]  }
0x31: {  	[smem:$0x3FB5] =	sst s10  }
0x32: {  	s10 =	sld [smem:$0x3FB3];
	_ =	sdelay $0x3  }
0x33: {  	p0 =	seq.s32 s10, $0x1;
	s10 =	sld [smem:$0x3FB5];
	_ =	sdelay $0x3  }
0x34: {  	[smem:$0x3FB5] =	sst s10  }
0x35: {  	s10 =	sld [smem:$0x3FB4];
	_ =	sdelay $0x3  }
0x36: {  	p1 =	seq.s32 s10, $0x1;
	s10 =	sld [smem:$0x3FB5];
	_ =	sdelay $0x3  }
0x37: {  	[smem:$0x3FB5] =	sst s10  }
0x38: {  	s10 =	sld [smem:$0x3FB6]  }
0x39: {  	_ = 	snop;
	(pc) =	sbr.ind lr, $3  }
0x3a: {  	_ = 	snop  }
0x3b: {  	_ = 	snop  }
0x3c: {  	p2 =	seq.s32 s10, $0x1;
	s10 =	sld [smem:$0x3FB5]  }
0x3d: {  	_ =	shalt  }
0x3e: {  	_ =	shalt  }
0x3f: {  	_ =	shalt  }
0x40: {  	_ =	shalt  }
0x41: {  	_ =	shalt  }
0x42: {  	_ =	shalt  }
0x43: {  	_ =	shalt  }
0x44: {  	_ =	shalt  }
0x45: {  	_ =	shalt  }
0x46: {  	_ =	shalt  }
0x47: {  	_ =	shalt  }
0x48: {  	_ =	shalt  }
0x49: {  	_ =	shalt  }
0x4a: {  	_ =	shalt  }
0x4b: {  	_ =	shalt  }
0x4c: {  	_ =	shalt  }
0x4d: {  	_ =	shalt  }
0x4e: {  	_ =	shalt  }
0x4f: {  	_ =	shalt  }
0x50: {  	_ =	shalt  }
0x51: {  	_ =	shalt  }
0x52: {  	_ =	shalt  }
0x53: {  	_ =	shalt  }
0x54: {  	_ =	shalt  }
0x55: {  	_ =	shalt  }
0x56: {  	_ =	shalt  }
0x57: {  	_ =	shalt  }
0x58: {  	_ =	shalt  }
0x59: {  	_ =	shalt  }
0x5a: {  	_ =	shalt  }
0x5b: {  	_ =	shalt  }
0x5c: {  	_ =	shalt  }
0x5d: {  	_ =	shalt  }
0x5e: {  	_ =	shalt  }
0x5f: {  	_ =	shalt  }
0x60: {  	_ =	shalt  }
0x61: {  	_ =	shalt  }
0x62: {  	_ =	shalt  }
0x63: {  	_ =	shalt  }
0x64: {  	_ =	shalt  }
0x65: {  	_ =	shalt  }
0x66: {  	_ =	shalt  }
0x67: {  	_ =	shalt  }
0x68: {  	_ =	shalt  }
0x69: {  	_ =	shalt  }
0x6a: {  	_ =	shalt  }
0x6b: {  	_ =	shalt  }
0x6c: {  	_ =	shalt  }
0x6d: {  	_ =	shalt  }
0x6e: {  	_ =	shalt  }
0x6f: {  	_ =	shalt  }
0x70: {  	_ =	shalt  }
0x71: {  	_ =	shalt  }
0x72: {  	_ =	shalt  }
0x73: {  	_ =	shalt  }
0x74: {  	_ =	shalt  }
0x75: {  	_ =	shalt  }
0x76: {  	_ =	shalt  }
0x77: {  	_ =	shalt  }
0x78: {  	_ =	shalt  }
0x79: {  	_ =	shalt  }
0x7a: {  	_ =	shalt  }
0x7b: {  	_ =	shalt  }
0x7c: {  	_ =	shalt  }
0x7d: {  	_ =	shalt  }
0x7e: {  	_ =	shalt  }
0x7f: {  	_ =	shalt  }
0x80: {  	_ =	shalt  }
0x81: {  	_ =	shalt  }
0x82: {  	_ =	shalt  }
0x83: {  	_ =	shalt  }
0x84: {  	_ =	shalt  }
0x85: {  	_ =	shalt  }
0x86: {  	_ =	shalt  }
0x87: {  	_ =	shalt  }
.Lfunc_end0:
.L_simem_size_0:
called_computation.2_lowered:
.L_overlay_start_0:
0x88: {  	s2 =	sld [smem:$0x3FD9]  }
0x89: {  	s3 =	sld [smem:$0x3FFE];
	_ =	sdelay $0x1  }
0x8a: {  	s1 =	srdreg.scid  }
0x8b: {  	s0 =	sand.u32 $0x1, s1  }
0x8c: {  	s14 =	sshll.u32 s0, $0xA;
	s2 =	sadd.s32 s3, s2  }
0x8d: {  	s2 =	sadd.s32 s2, s14  }
0x8e: {  	[smem:$0x3FC1] =	sst s2  }
0x8f: {  	_ = 	snop  }
0x90: {  	s2 =	sld [smem:$0x3FD0];
	_ =	sdelay $0x2  }
0x91: {  	s4 =	simm.s32 $0xB;
	s5 =	simm.s32 $0x10;
	s15 =	sld [smem:$0x3FC9]  }
0x92: {  	[smem:s5], [sflag:s4] =	dma.local [hbm:s2], $0x1  }
0x93: {  	_ =	swait.eq [sflag:s4], $0x1  }
0x94: {  	[sflag:s4] =	ssyncset.done $0x0  }
0x95: {  	[sflag:s4] =	ssyncadd.s32 $0xFFFFFFFF  }
0x96: {  	s16 =	sld [smem:$0x10];
	(tm) =	ssettm $0x1  }
0x97: {  	s17 =	sld [smem:$0x3FFB];
	_ =	sdelay $0x3  }
0x98: {  	_ =	strace s17  }
0x99: {  	s4 =	sld [smem:$0x3FFC];
	_ =	sdelay $0x3  }
0x9a: {  	_ =	strace s4  }
0x9b: {  	s4 =	sld [smem:$0x3FFD];
	_ =	sdelay $0x3  }
0x9c: {  	_ =	strace s4  }
0x9d: {  	_ =	strace $0x8FFFFFFF  }
0x9e: {  	s18 =	sld [smem:$0x3FDB];
	_ =	sdelay $0x1  }
0x9f: {  	s19 =	simm.s32 $_scs_section_size  }
0xa0: {  	s6 =	simm.s32 $_size__tile_overlayer_lowered;
	s7 =	simm.s32 $_tile_overlayer_lowered  }
0xa1: {  	s22 =	simm.s32 $0x1BFF;
	s21 =	sshll.u32 s7, $0x1;
	s4 =	sadd.s32 s19, s18  }
0xa2: {  	s8 =	simm.s32 $0x0;
	s20 =	sshll.u32 s6, $0x1;
	s6 =	sadd.s32 s21, s4  }
0xa3: {  	[timem:s8], [sflag:s22] =	dma.local [hbm:s6], s20  }
0xa4: {  	_ =	swait.ge [sflag:s22], s20  }
0xa5: {  	s5 =	ssub.s32 $0x0, s20;
	[sflag:s22] =	ssyncset.done $0x0  }
0xa6: {  	[sflag:s22] =	ssyncadd.s32 s5;
	_ =	sdelay $0x1  }
0xa7: {  	s23 =	simm.s32 $0x1B8B  }
0xa8: {  	_ =	swait.ge [sflag:s23], $0x1  }
0xa9: {  	[sflag:s23] =	ssyncset.done $0x0  }
0xaa: {  	s25 =	simm.s32 $0x1B8E;
	s24 =	sld [smem:$0x3FFE];
	[sflag:s23] =	ssyncadd.s32 $0xFFFFFFFF  }
0xab: {  	s26 =	simm.s32 $execute0_lowered;
	[smem:$0x3FD2] =	sst s25  }
0xac: {  	s6 =	sshll.u32 s26, $0x1;
	_ =	strace $0x80000049;
	[dreg:$0x1] =	wrdreg $0xFFFFFFFF  }
0xad: {  	s28 =	simm.s32 $_size_execute0_lowered;
	s4 =	sadd.s32 s4, s6;
	[dreg:$0x0] =	wrdreg $0x0  }
0xae: {  	s6 =	sshll.u32 s28, $0x1;
	[dreg:$0x2] =	wrdreg s4  }
0xaf: {  	[dreg:$0x3] =	wrdreg s6  }
0xb0: {  	[dreg:$0x4] =	wrdreg $0xC0  }
0xb1: {  	_ =	task [dreg:s8], $0x5FFFF  }
0xb2: {  	[dreg:$0x1] =	wrdreg $0xFFFFFFFF  }
0xb3: {  	[dreg:$0x0] =	wrdreg $0x60  }
0xb4: {  	[dreg:$0x2] =	wrdreg s24  }
0xb5: {  	[dreg:$0x3] =	wrdreg s15  }
0xb6: {  	[dreg:$0x4] =	wrdreg s16  }
0xb7: {  	[dreg:$0x5] =	wrdreg $0x67200  }
0xb8: {  	[dreg:$0x6] =	wrdreg $0xA  }
0xb9: {  	_ =	task.clear_ibuf [dreg:s8], $0x7FFFF;
	_ =	strace $0x90000049  }
0xba: {  	s29 =	simm.s32 $0xA;
	_ =	strace $0x8000004B  }
0xbb: {  	_ =	swait.ge [sflag:s29], $0x1  }
0xbc: {  	[sflag:s29] =	ssyncadd.s32 $0xFFFFFFFF  }
0xbd: {  	_ =	strace $0x9000004B  }
0xbe: {  	_ =	sfence  }
0xbf: {  	s30 =	sld [smem:$0x0];
	_ =	sdelay $0x2  }
0xc0: {  	s31 =	sshll.u32 s1, $0xD;
	s1 =	sshrl.u32 s1, $0x2  }
0xc1: {  	s3 =	sand.u32 $0x4000, s31;
	s1 =	sadd.s32 s1, s30  }
0xc2: {  	s0 =	sor.u32 s3, s0;
	s1 =	sshll.u32 s1, $0x11  }
0xc3: {  	s0 =	sor.u32 s1, s0  }
0xc4: {  	s0 =	sadd.s32 $0x8F2B, s0  }
0xc5: {  	[sflag:s0] =	ssyncadd.remote.s32 $0x1  }
0xc6: {  	_ =	sfence.sel $0xFFFF  }
0xc7: {  	[dreg:$0x0] =	wrdreg $0xFFFFFFFF;
	(pc) =	sbr.abs _section_cstart, $3  }
0xc8: {  	[dreg:$0x1] =	wrdreg $0xFFFFFFFF  }
0xc9: {  	_ =	task.clear_ibuf [dreg:s8], $0x2FFFF;
	_ =	strace $0x9FFFFFFF  }
0xca: {  	(tm) =	ssettm $0x7FFFFFFF  }
0xcb: {  	_ =	shalt  }
tec
execute0_lowered:
.L_overlay_start_1:
0x0: {  	(tag) =	ssettag $0x1  }
0x1: {  	s6 =	rddreg [dreg:$0x0]  }
0x2: {  	s1 =	rddreg [dreg:$0x1]  }
0x3: {  	s9 =	rddreg [dreg:$0x2]  }
0x4: {  	s3 =	rddreg [dreg:$0x3]  }
0x5: {  	s0 =	rddreg [dreg:$0x4]  }
0x6: {  	s4 =	simm.s32 $0x0;
	s2 =	stileid.u32;
	s8 =	srdreg.scid  }
0x7: {  	s12 =	simm.s32 $0x1;
	s13 =	simm.s32 $0x320;
	s20 =	simm.s32 $0x0  }
0x8: {  	[smem:$0x7FF] =	sst s4;
	s7 =	smul.u32 $0x18700, s2;
	s5 =	sadd.s32 $0xC36E00, s6  }
0x9: {  	s8 =	sand.u32 $0x1, s8;
	s30 =	smul.u32 $0xC38, s2;
	s31 =	sshll.u32 s2, $0x6  }
0xa: {  	p0 =	seq.s32 s2, $0xF;
	_ =	strace $0x8000004A;
	s14 =	smul.u32 $0xC350, s8  }
0xb: {  	s11 =	ssub.s32 $0x2, s8;
	s8 =	smul.u32 $0x186A0, s2;
	s10 =	sshrl.u32 s7, $0x3  }
0xc: {  	s29 =	sshrl.u32 s11, $0x1;
	s15 =	sadd.s32 s7, s3;
	s7 =	sor.u32 $0x1C01, s31  }
0xd: {  	s6 =	sadd.s32 s10, s6;
	s11 =	ssub.s32 s11, s29;
	s10 =	sadd.s32 s30, s14  }
0xe: {  	s16 =	sadd.s32 $0xC350, s14;
	v0 =	vmov s14;
	s14 =	sshrl.u32 @p0 s15, $0x3;
	s10 =	sshll.u32 s10, $0x2  }
0xf: {  	v2 =	vlaneseq.u32;
	s6 =	sadd.s32 $0x1C00, s6;
	v1 =	vmov s16;
	s16 =	simm.s32 $0x0;
	s9 =	sadd.s32 s9, s10  }
0x10: {  	v2 =	vor.u32 $0xC350, v2;
	s10 =	smax.u32 s11, $0x1;
	s11 =	sshrl.u32 s15, $0x3;
	s15 =	sshrl.u32 @!p0 s15, $0x3  }
.LBB2_1:
0x11: {  	[spmem:s11], [sflag:s7] =	dma.local [hbm:s6], $0x30E0  }
0x12: {  	_ =	swait.ge [sflag:s12], $0x30E0  }
0x13: {  	[sflag:s12] =	ssyncset.done $0x0  }
0x14: {  	[sflag:s12] =	ssyncadd.s32 $0xFFFFCF20  }
0x15: {  	s17 =	simm.s32 $0x0;
	[bflag:$0x0] =	sbarrier.arrive $0xFFFF  }
.LBB2_2:
0x16: {  	s18 =	smul.u32 $0x320, s17;
	_ =	sdelay $0x1  }
0x17: {  	s18 =	sadd.s32 s8, s18  }
0x18: {  	s19 =	sshrl.u32 s18, $0x3  }
0x19: {  	s19 =	sadd.s32 s1, s19  }
0x1a: {  	[tilespmem:s20], [sflag:$0x1] =	stream.linear.gather [hbm4b:s19+s20], $0x320, $0x38;
	[tilespmem:$0x1EE20] =	vst v63  }
0x1b: {  	_ =	swait.ge [sflag:s12], $0x320  }
0x1c: {  	s18 =	sshll.u32 s18, $0x2;
	[sflag:s12] =	ssyncset.done $0x0  }
0x1d: {  	s18 =	sadd.s32 s5, s18;
	[sflag:s12] =	ssyncadd.s32 $0xFFFFFCE0  }
0x1e: {  	[tilespmem:s13], [sflag:$0x1] =	stream.linear.gather [hbm4b:s18+s20], $0x6400, $0x38;
	[tilespmem:$0x1EE20] =	vst v63  }
0x1f: {  	_ =	swait.ge [sflag:s12], $0x6400  }
0x20: {  	[sflag:s12] =	ssyncset.done $0x0  }
0x21: {  	s19 =	simm.s32 $0x40;
	s18 =	simm.s32 $0x0;
	[sflag:s12] =	ssyncadd.s32 $0xFFFF9C00  }
.LBB2_3:
0x22: {  	p1 =	sne.s32 s19, $0xC40;
	v3 =	vld [tilespmem:s18+$0x0];
	_ =	sdelay $0x3  }
.Ltmp0:
0x23: {  	(pc) =	sbr.rel @p1 .LBB2_3-.Ltmp0, $4  }
0x24: {  	vm0 =	vge.s32 v3, v0;
	vm1 =	vlt.s32 v3, v1  }
0x25: {  	v3 =	vsub.s32 v3, v0;
	vm0 =	vmand vm0, vm1  }
0x26: {  	v3 =	vsel vm0, v3, v2  }
0x27: {  	[tilespmem:s18+$0x0] =	vst v3;
	s18 =	sshra.s32 s19, $0x2;
	s19 =	sadd.s32 $0x40, s19  }
0x28: {  	v3 =	vld [tilespmem:s18+$0x0];
	_ =	sdelay $0x4  }
0x29: {  	vm0 =	vge.s32 v3, v0;
	vm1 =	vlt.s32 v3, v1  }
0x2a: {  	s17 =	sadd.s32 $0x1, s17;
	v3 =	vsub.s32 v3, v0;
	vm0 =	vmand vm0, vm1  }
0x2b: {  	p1 =	sne.s32 s17, $0x7D;
	v3 =	vsel vm0, v3, v2  }
.Ltmp1:
0x2c: {  	[tilespmem:s18+$0x0] =	vst v3;
	(pc) =	sbr.rel @p1 .LBB2_2-.Ltmp1, $4  }
0x2d: {  	[spmem:s3] =	stream.indirect.scatter.add.f32 [tilespmem:s13], [sflag:$0x1], $0x20, s4, s13, $0xb8;
	[tilespmem:$0x1EE20] =	vst v63  }
0x2e: {  	_ =	swait.ge [sflag:s12], $0x6400  }
0x2f: {  	[sflag:s12] =	ssyncset.done $0x0  }
0x30: {  	[sflag:s12] =	ssyncadd.s32 $0xFFFF9C00  }
0x31: {  	[bflag:$0x0] =	sbarrier.arrive $0xFFFF;
	s17 =	simm.s32 @p0 $0x1  }
0x32: {  	[hbm:s9], [sflag:s7] =	dma.local @p0 [spmem:s14], $0x3020  }
0x33: {  	s16 =	sadd.s32 $0x1, s16;
	_ =	swait.ge @p0 [sflag:s17], $0x3020  }
0x34: {  	p1 =	sne.s32 s16, s10;
	[sflag:s17] =	ssyncset.done @p0 $0x0  }
.Ltmp2:
0x35: {  	[sflag:s17] =	ssyncadd.s32 @p0 $0xFFFFCFE0;
	s17 =	simm.s32 @!p0 $0x1;
	(pc) =	sbr.rel @p1 .LBB2_1-.Ltmp2, $4  }
0x36: {  	[hbm:s9], [sflag:s7] =	dma.local @!p0 [spmem:s15], $0x30E0  }
0x37: {  	_ =	swait.ge @!p0 [sflag:s17], $0x30E0  }
0x38: {  	[sflag:s17] =	ssyncset.done @!p0 $0x0  }
0x39: {  	[sflag:s17] =	ssyncadd.s32 @!p0 $0xFFFFCF20  }
0x3a: {  	_ =	sfence.sel $0x180000  }
0x3b: {  	[bflag:$0x0] =	sbarrier.arrive $0xFFFF  }
0x3c: {  	p0 =	sne.s32 s2, $0x0;
	_ =	strace $0x9000004A  }
0x3d: {  	s0 =	sadd.s32 @!p0 $0x100000, s0;
	[bflag:$0x2] =	sbarrier.arrive $0xFFFF  }
0x3e: {  	[sflag:s0] =	ssyncadd.tile.s32 @!p0 $0x1;
	_ =	shalt  }
.Lfunc_end2:
_tile_overlayer_lowered:
.L_overlay_start_2:
0x3f: {  	(tag) =	ssettag $0x2  }
0x40: {  	s0 =	rddreg [dreg:$0x0];
	s2 =	stileid.u32  }
0x41: {  	s1 =	rddreg [dreg:$0x1];
	p0 =	sne.s32 s2, $0x0  }
0x42: {  	s3 =	rddreg [dreg:$0x2];
	[bflag:$0x3] =	sbarrier.arrive $0xFFFF;
	s2 =	simm.s32 @!p0 $0x1C01  }
0x43: {  	[timem:s3], [sflag:s2] =	dma.local @!p0 [hbm:s0], s1  }
0x44: {  	s0 =	simm.s32 @!p0 $0x1  }
0x45: {  	_ =	swait.ge @!p0 [sflag:s0], s1  }
0x46: {  	s1 =	ssub.s32 @!p0 $0x0, s1;
	[sflag:s0] =	ssyncset.done @!p0 $0x0  }
0x47: {  	[sflag:s0] =	ssyncadd.s32 @!p0 s1  }
0x48: {  	[bflag:$0x3] =	sbarrier.arrive $0xFFFF  }
0x49: {  	_ =	shalt  }

// kernel: sparse-core-data-format-call.cloned.1.call-start
scs
called_computation_lowered:
.L_overlay_start_0:
0x0: {  	s2 =	sld [smem:$0x3FD9]  }
0x1: {  	s3 =	sld [smem:$0x3FFE];
	_ =	sdelay $0x1  }
0x2: {  	s1 =	srdreg.scid  }
0x3: {  	s0 =	sand.u32 $0x1, s1  }
0x4: {  	s16 =	sshll.u32 s0, $0xA;
	s2 =	sadd.s32 s3, s2  }
0x5: {  	s2 =	sadd.s32 s2, s16  }
0x6: {  	[smem:$0x3FC1] =	sst s2  }
0x7: {  	_ = 	snop  }
0x8: {  	s2 =	sld [smem:$0x3FD0];
	_ =	sdelay $0x2  }
0x9: {  	s17 =	simm.s32 $0xB;
	s4 =	simm.s32 $0x10  }
0xa: {  	[smem:s4], [sflag:s17] =	dma.local [hbm:s2], $0x1  }
0xb: {  	_ =	swait.eq [sflag:s17], $0x1  }
0xc: {  	[sflag:s17] =	ssyncset.done $0x0  }
0xd: {  	[sflag:s17] =	ssyncadd.s32 $0xFFFFFFFF  }
0xe: {  	s18 =	sld [smem:$0x11];
	(tm) =	ssettm $0x1  }
0xf: {  	s19 =	sld [smem:$0x3FFB];
	_ =	sdelay $0x3  }
0x10: {  	_ =	strace s19  }
0x11: {  	s2 =	sld [smem:$0x3FFC];
	_ =	sdelay $0x3  }
0x12: {  	_ =	strace s2  }
0x13: {  	s2 =	sld [smem:$0x3FFD];
	_ =	sdelay $0x3  }
0x14: {  	_ =	strace s2  }
0x15: {  	_ =	strace $0x8FFFFFFF  }
0x16: {  	s20 =	sld [smem:$0x3FDB];
	_ =	sdelay $0x1  }
0x17: {  	s21 =	simm.s32 $_scs_section_size  }
0x18: {  	s5 =	simm.s32 $_size__tile_overlayer_lowered;
	s6 =	simm.s32 $_tile_overlayer_lowered  }
0x19: {  	s7 =	simm.s32 $0x1BFF;
	s22 =	sshll.u32 s6, $0x1;
	s4 =	sadd.s32 s21, s20  }
0x1a: {  	s23 =	simm.s32 $0x0;
	s5 =	sshll.u32 s5, $0x1;
	s6 =	sadd.s32 s22, s4  }
0x1b: {  	[timem:s23], [sflag:s7] =	dma.local [hbm:s6], s5  }
0x1c: {  	_ =	swait.ge [sflag:s7], s5  }
0x1d: {  	s5 =	ssub.s32 $0x0, s5;
	[sflag:s7] =	ssyncset.done $0x0  }
0x1e: {  	[sflag:s7] =	ssyncadd.s32 s5;
	_ =	sdelay $0x1  }
0x1f: {  	s24 =	simm.s32 $0x1B8B  }
0x20: {  	_ =	swait.ge [sflag:s24], $0x1  }
0x21: {  	[sflag:s24] =	ssyncset.done $0x0  }
0x22: {  	[sflag:s24] =	ssyncadd.s32 $0xFFFFFFFF  }
0x23: {  	s5 =	sld [smem:$0x0]  }
0x24: {  	s6 =	sand.u32 $0xFFFFFFFE, s1  }
0x25: {  	p0 =	sne.s32 s1, s6  }
0x26: {  	s6 =	sshll.u32 @p0 s6, $0xE  }
0x27: {  	s6 =	sadd.s32 @p0 $0x11B8D, s6;
	s7 =	sshll.u32 @p0 s5, $0x11  }
0x28: {  	s6 =	sor.u32 @p0 s7, s6  }
0x29: {  	[sflag:s6] =	ssyncadd.remote.s32 @p0 $0x1;
	_ =	sdelay $0x1  }
0x2a: {  	s6 =	simm.s32 @p0 $0x1B8D  }
0x2b: {  	_ =	swait.eq @p0 [sflag:s6], $0x1  }
0x2c: {  	[sflag:s6] =	ssyncadd.s32 @p0 $0xFFFFFFFF  }
0x2d: {  	s7 =	sshll.u32 @!p0 s1, $0xE  }
0x2e: {  	s7 =	sor.u32 @!p0 $0x4000, s7;
	s6 =	simm.s32 @!p0 $0x1B8D  }
0x2f: {  	s5 =	sshll.u32 @!p0 s5, $0x11;
	s7 =	sadd.s32 @!p0 $0x11B8D, s7;
	_ =	swait.eq @!p0 [sflag:s6], $0x1  }
0x30: {  	s5 =	sor.u32 @!p0 s5, s7;
	[sflag:s6] =	ssyncadd.s32 @!p0 $0xFFFFFFFF  }
0x31: {  	s26 =	simm.s32 $0x1B8E;
	s25 =	sld [smem:$0x3FFE];
	[sflag:s5] =	ssyncadd.remote.s32 @!p0 $0x1  }
0x32: {  	s27 =	simm.s32 $execute0_lowered;
	[smem:$0x3FD2] =	sst s26  }
0x33: {  	s6 =	sshll.u32 s27, $0x1;
	_ =	strace $0x8000004C;
	[dreg:$0x1] =	wrdreg $0xFFFFFFFF  }
0x34: {  	s28 =	simm.s32 $_size_execute0_lowered;
	s4 =	sadd.s32 s4, s6;
	[dreg:$0x0] =	wrdreg $0x0  }
0x35: {  	s6 =	sshll.u32 s28, $0x1;
	[dreg:$0x2] =	wrdreg s4  }
0x36: {  	[dreg:$0x3] =	wrdreg s6  }
0x37: {  	[dreg:$0x4] =	wrdreg $0xC0  }
0x38: {  	_ =	task [dreg:s23], $0x5FFFF  }
0x39: {  	[dreg:$0x1] =	wrdreg $0xFFFFFFFF  }
0x3a: {  	[dreg:$0x0] =	wrdreg $0x60  }
0x3b: {  	[dreg:$0x2] =	wrdreg s25  }
0x3c: {  	[dreg:$0x3] =	wrdreg s18  }
0x3d: {  	[dreg:$0x4] =	wrdreg $0x9  }
0x3e: {  	_ =	task.clear_ibuf [dreg:s23], $0x5FFFF;
	_ =	strace $0x9000004C  }
0x3f: {  	s29 =	simm.s32 $0x9;
	_ =	strace $0x8000004E  }
0x40: {  	_ =	swait.ge [sflag:s29], $0x1  }
0x41: {  	[sflag:s29] =	ssyncadd.s32 $0xFFFFFFFF  }
0x42: {  	_ =	strace $0x9000004E  }
0x43: {  	_ =	sfence  }
0x44: {  	s30 =	sld [smem:$0x0];
	_ =	sdelay $0x2  }
0x45: {  	s31 =	sshll.u32 s1, $0xD;
	s1 =	sshrl.u32 s1, $0x2  }
0x46: {  	s4 =	sand.u32 $0x4000, s31;
	s1 =	sadd.s32 s1, s30  }
0x47: {  	s0 =	sor.u32 s4, s0;
	s1 =	sshll.u32 s1, $0x11  }
0x48: {  	s0 =	sor.u32 s1, s0  }
0x49: {  	s0 =	sadd.s32 $0x8F2B, s0  }
0x4a: {  	[sflag:s0] =	ssyncadd.remote.s32 $0x1  }
0x4b: {  	_ =	sfence.sel $0xFFFF  }
0x4c: {  	[dreg:$0x0] =	wrdreg $0xFFFFFFFF;
	(pc) =	sbr.abs _section_cstart, $3  }
0x4d: {  	[dreg:$0x1] =	wrdreg $0xFFFFFFFF  }
0x4e: {  	_ =	task.clear_ibuf [dreg:s23], $0x2FFFF;
	_ =	strace $0x9FFFFFFF  }
0x4f: {  	(tm) =	ssettm $0x7FFFFFFF  }
tec
execute0_lowered:
.L_overlay_start_1:
0x0: {  	(tag) =	ssettag $0x1  }
0x1: {  	s0 =	srdreg.scid  }
0x2: {  	s1 =	sshll.u32 s0, $0x4  }
0x3: {  	s4 =	rddreg [dreg:$0x0];
	s0 =	stileid.u32;
	s1 =	sand.u32 $0x10, s1  }
0x4: {  	s2 =	rddreg [dreg:$0x1];
	s7 =	simm.s32 $0x1;
	s1 =	sor.u32 s0, s1  }
0x5: {  	s8 =	simm.s32 $0x2;
	s11 =	simm.s32 $0x0;
	s3 =	sshll.u32 s1, $0x7  }
0x6: {  	s10 =	simm.s32 $0x0;
	s4 =	sadd.s32 $0x1251600, s4;
	s6 =	ssub.s32 $0x186A00, s3  }
.Ltmp0:
0x7: {  	s1 =	rddreg [dreg:$0x2];
	s5 =	sand.u32 $0xF80, s6;
	(pc) =	sbr.rel .LBB1_1-.Ltmp0, $4  }
0x8: {  	_ =	strace $0x8000004D;
	s9 =	smov.u32 s3;
	p0 =	sne.s32 s5, $0x0  }
0x9: {  	s6 =	sshrl.u32 s6, $0xC;
	s5 =	simm.s32 $0x1;
	s7 =	simm.s32 @!p0 $0x0  }
0xa: {  	[sflag:s5] =	ssyncpa.u1 $0x0;
	p0 =	por $0x0, $0x0;
	s6 =	sadd.s32 s7, s6  }
0xb: {  	[sflag:s8] =	ssyncpa.u1 $0x0;
	s8 =	simm.s32 $0xC35000;
	s7 =	sadd.s32 $0x1, s6  }
.LBB1_4:
0xc: {  	s14 =	sshll.u32 s11, $0x3  }
0xd: {  	s14 =	sand.u32 $0xFFFFFC00, s14  }
0xe: {  	s15 =	sshrl.u32 s14, $0x9  }
0xf: {  	s15 =	smulhi.u32 $0xA7C5AD, s15;
	_ =	sdelay $0x1  }
0x10: {  	s15 =	sshrl.u32 s15, $0x3  }
0x11: {  	s28 =	sand.u32 $0x7F, s11;
	s16 =	smul.u32 $0x186A00, s15  }
0x12: {  	s11 =	sor.u32 s28, s14  }
0x13: {  	s29 =	sand.u32 $0x1F, s15;
	s11 =	ssub.s32 s11, s16  }
0x14: {  	s14 =	smul.u32 $0x30D40, s29;
	s30 =	sshrl.u32 s11, $0x3;
	s11 =	sand.u32 $0x7, s11  }
0x15: {  	s15 =	sadd.s32 s2, s30;
	s11 =	sshll.u32 s11, $0x12  }
0x16: {  	[tilespmem:s13+$0x0 ss:$0x81] =	vst.msk $0xffff, v0;
	s31 =	sadd.s32 s14, s15;
	s11 =	sor.u32 $0x400, s11  }
0x17: {  	[hbm4b:s31+s11] =	stream.strided.scatter [tilespmem:s12], [sflag:$0x2], $0x1000, s8, s11, $0x20;
	[tilespmem:$0x4040] =	vst v63  }
.LBB1_5:
0x18: {  	s13 =	sadd.s32 $0x1000, s9  }
0x19: {  	p2 =	sgt.s32 s13, $0x1869FF  }
0x1a: {  	s13 =	smov.u32 @p2 s3;
	p2 =	sne.s32 s10, s7  }
.Ltmp1:
0x1b: {  	p1 =	slt.u32 s10, $0x2;
	(pc) =	sbr.rel @!p2 .LBB1_6-.Ltmp1, $4  }
0x1c: {  	s12 =	simm.s32 @!p1 $0x2  }
0x1d: {  	s14 =	sadd.s32 $0x1, s10;
	_ =	swait.ge @!p1 [sflag:s12], $0x1000  }
0x1e: {  	s11 =	smov.u32 s9;
	p0 =	por !p0, !p0;
	[sflag:s12] =	ssyncset.done @!p1 $0x0  }
0x1f: {  	s10 =	smov.u32 s14;
	s9 =	smov.u32 s13;
	[sflag:s12] =	ssyncadd.s32 @!p1 $0xFFFFF000  }
.LBB1_1:
0x20: {  	p1 =	sge.u32 s10, s6  }
0x21: {  	s12 =	sand.u32 @!p1 $0x1FFFFFF, s9  }
0x22: {  	s13 =	smulhi.u32 @!p1 $0x14F8B59, s12;
	_ =	sdelay $0x1  }
0x23: {  	s13 =	sshrl.u32 @!p1 s13, $0xD  }
0x24: {  	s13 =	smul.u32 @!p1 $0x186A00, s13;
	_ =	sdelay $0x1  }
0x25: {  	s31 =	sadd.s32 $0xFFFFFFFF, s10;
	s14 =	sxor.u32 @!p1 $0xFFFFFFFF, s10;
	s12 =	ssub.s32 @!p1 s12, s13  }
0x26: {  	s15 =	simm.s32 @!p1 $0x80;
	s14 =	sshll.u32 @!p1 s14, $0xC;
	s12 =	sshll.u32 @!p1 s12, $0x4  }
0x27: {  	s13 =	sand.u32 @!p1 $0x1000, s14;
	s14 =	simm.s32 @!p1 $0x20;
	s12 =	sadd.s32 @!p1 s4, s12  }
0x28: {  	[tilespmem:s13], [sflag:$0x1] =	stream.strided.gather @!p1 [hbm4b:s12+s14], $0x1000, s15, s14, $0x38;
	[tilespmem:$0x4040] =	vst v63  }
0x29: {  	p1 =	sge.u32 s31, s6  }
.Ltmp2:
0x2a: {  	_ = 	snop;
	(pc) =	sbr.rel @p1 .LBB1_5-.Ltmp2, $1  }
0x2b: {  	_ =	sdelay $0x3  }
0x2c: {  	s12 =	simm.s32 $0x1  }
0x2d: {  	_ =	swait.ge [sflag:s5], $0x1000;
	s12 =	simm.s32 @!p0 $0x0  }
0x2e: {  	[sflag:s5] =	ssyncset.done $0x0;
	s13 =	sshll.u32 s12, $0xC  }
0x2f: {  	[sflag:s5] =	ssyncadd.s32 $0xFFFFF000;
	s16 =	sor.u32 $0x10, s13  }
0x30: {  	s12 =	smul.u32 $0x4080, s12;
	v1 =	vld [tilespmem:s16+$0x0]  }
0x31: {  	s30 =	sand.u32 $0x1, s10;
	v0 =	vld [tilespmem:s16+$0xFFFFFFF0]  }
0x32: {  	s13 =	smul.u32 $0x4080, s30;
	s12 =	sshrl.u32 s12, $0x2  }
0x33: {  	s14 =	sor.u32 $0x2000, s12  }
0x34: {  	s31 =	sshrl.u32 s13, $0x2;
	s13 =	sadd.s32 $0x0, s14  }
0x35: {  	s15 =	simm.s32 $0x4;
	s16 =	sadd.s32 $0x20, s16;
	s12 =	sor.u32 $0x2000, s31;
	[tilespmem:s13+$0x810 ss:$0x81] =	vst.msk $0xffff, v1  }
.LBB1_3:
0x36: {  	v1 =	vld [tilespmem:s16+$0x0];
	p1 =	sne.s32 s15, $0x1FC;
	[tilespmem:s13+$0x0 ss:$0x81] =	vst.msk $0xffff, v0;
	s13 =	smov.u32 s15;
	s15 =	sadd.s32 $0x4, s15  }
.Ltmp3:
0x37: {  	v0 =	vld [tilespmem:s16+$0xFFFFFFF0];
	(pc) =	sbr.rel @p1 .LBB1_3-.Ltmp3, $4  }
0x38: {  	_ = 	snop  }
0x39: {  	s13 =	sshra.s32 s13, $0x2  }
0x3a: {  	s13 =	sadd.s32 s13, s14  }
0x3b: {  	s16 =	sadd.s32 $0x20, s16;
	[tilespmem:s13+$0x810 ss:$0x81] =	vst.msk $0xffff, v1  }
.Ltmp4:
0x3c: {  	_ = 	snop;
	(pc) =	sbr.rel .LBB1_4-.Ltmp4, $1  }
0x3d: {  	_ =	sdelay $0x3  }
.LBB1_6:
0x3e: {  	_ =	sfence.sel $0x180000  }
0x3f: {  	s2 =	simm.s32 $0x1;
	[bflag:$0x0] =	sbarrier.arrive $0xFFFF  }
0x40: {  	s31 =	simm.s32 $0x2;
	[sflag:s2] =	ssyncpa.u1 $0x1  }
0x41: {  	[sflag:s31] =	ssyncpa.u1 $0x1  }
0x42: {  	p0 =	sne.s32 s0, $0x0;
	_ =	strace $0x9000004D  }
0x43: {  	s0 =	sadd.s32 @!p0 $0x100000, s1;
	[bflag:$0x2] =	sbarrier.arrive $0xFFFF  }
0x44: {  	[sflag:s0] =	ssyncadd.tile.s32 @!p0 $0x1;
	_ =	shalt  }
.Lfunc_end1:
_tile_overlayer_lowered:
.L_overlay_start_2:
0x45: {  	(tag) =	ssettag $0x2  }
0x46: {  	s0 =	rddreg [dreg:$0x0];
	s2 =	stileid.u32  }
0x47: {  	s1 =	rddreg [dreg:$0x1];
	p0 =	sne.s32 s2, $0x0  }
0x48: {  	s3 =	rddreg [dreg:$0x2];
	[bflag:$0x3] =	sbarrier.arrive $0xFFFF;
	s2 =	simm.s32 @!p0 $0x1C01  }
0x49: {  	[timem:s3], [sflag:s2] =	dma.local @!p0 [hbm:s0], s1  }
0x4a: {  	s0 =	simm.s32 @!p0 $0x1  }
0x4b: {  	_ =	swait.ge @!p0 [sflag:s0], s1  }
0x4c: {  	s1 =	ssub.s32 @!p0 $0x0, s1;
	[sflag:s0] =	ssyncset.done @!p0 $0x0  }
0x4d: {  	[sflag:s0] =	ssyncadd.s32 @!p0 s1  }
0x4e: {  	[bflag:$0x3] =	sbarrier.arrive $0xFFFF  }
0x4f: {  	_ =	shalt  }

</sc_bundles>
